<compile_context>
chip_gen: v7x
topology: tpu7x:2x2x1
jax: 0.10.2.dev20260603
libtpu: 0.0.44.dev20260713+nightly
codegen_flags: <defaults>
</compile_context>

<pallas_src>
import jax
import jax.numpy as jnp
from jax.experimental import pallas as pl
from jax.experimental.pallas import tpu as pltpu

B = 1024
N = 257
M = N - 1
C = 64
H = 64
L = 32
O = 64
BB = 8
CNT = float(B * H * N)


def _gather_conv(xb, ch, wcat_ref, bias_ref):
    acc = None
    iota_n = jax.lax.broadcasted_iota(jnp.int32, (M, N), 1)
    for k in range(3):
        ck = ch[:, k:k + 1]
        gk = (iota_n == ck).astype(jnp.float32)
        ek = jnp.dot(gk, xb, preferred_element_type=jnp.float32)
        term = jnp.dot(ek, wcat_ref[k], preferred_element_type=jnp.float32)
        acc = term if acc is None else acc + term
    return acc + bias_ref[...]


def _stats_accum(i, part_ref, s, sq):
    @pl.when(i == 0)
    def _():
        part_ref[...] = jnp.zeros_like(part_ref)

    row = jax.lax.broadcasted_iota(jnp.int32, (8, 128), 0)
    col = jax.lax.broadcasted_iota(jnp.int32, (8, 128), 1)
    vec = jnp.where((row == 0) & (col == 0), s, 0.0)
    vec = vec + jnp.where((row == 0) & (col == 1), sq, 0.0)
    part_ref[...] += vec


def _conv1_kernel(x_ref, ch_ref, wT_ref, b_ref, out_ref, part_ref):
    i = pl.program_id(0)
    sv = jnp.zeros((M, H), jnp.float32)
    sqv = jnp.zeros((M, H), jnp.float32)
    iota_n = jax.lax.broadcasted_iota(jnp.int32, (M, N), 1)
    for b in range(BB):
        xcm = x_ref[b]
        ch = ch_ref[b]
        acc = None
        for k in range(3):
            ck = ch[:, k:k + 1]
            gk = (iota_n == ck).astype(jnp.float32)
            ek = jax.lax.dot_general(
                gk, xcm, (((1,), (1,)), ((), ())),
                preferred_element_type=jnp.float32)
            term = jnp.dot(ek, wT_ref[k], preferred_element_type=jnp.float32)
            acc = term if acc is None else acc + term
        conv = acc + b_ref[...]
        out_ref[b, 0:1, :] = jnp.zeros((1, H), jnp.float32)
        out_ref[b, 1:N, :] = conv
        sv = sv + conv
        sqv = sqv + conv * conv
    _stats_accum(i, part_ref, jnp.sum(sv), jnp.sum(sqv))


def _mu_inv(part_ref):
    s = part_ref[0, 0]
    sq = part_ref[0, 1]
    mu = s / CNT
    var = (sq - s * s / CNT) / (CNT - 1.0)
    inv = 1.0 / (jnp.sqrt(var) + 1e-5)
    return mu, inv


def _conv2_kernel(x_ref, ch_ref, part_in_ref, wT_ref, b_ref, out_ref,
                  part_ref):
    i = pl.program_id(0)
    mu, inv = _mu_inv(part_in_ref)
    sv = jnp.zeros((M, H), jnp.float32)
    sqv = jnp.zeros((M, H), jnp.float32)
    for b in range(BB):
        xn = jnp.maximum((x_ref[b] - mu) * inv, 0.0)
        conv = _gather_conv(xn, ch_ref[b], wT_ref, b_ref)
        out_ref[b, 0:1, :] = jnp.zeros((1, H), jnp.float32)
        out_ref[b, 1:N, :] = conv
        sv = sv + conv
        sqv = sqv + conv * conv
    _stats_accum(i, part_ref, jnp.sum(sv), jnp.sum(sqv))


def _mlp_kernel(x_ref, part_in_ref, z_ref, wa_ref, wb_ref, b1_ref, w2_ref,
                b2_ref, out_ref):
    mu, inv = _mu_inv(part_in_ref)
    for b in range(BB):
        xn = jnp.maximum((x_ref[b] - mu) * inv, 0.0)
        zrow = z_ref[b:b + 1, :]
        t = jnp.dot(zrow, wb_ref[...], preferred_element_type=jnp.float32)
        h = jnp.dot(xn, wa_ref[...], preferred_element_type=jnp.float32)
        h = jnp.maximum(h + t + b1_ref[...], 0.0)
        logits = jnp.dot(h, w2_ref[...], preferred_element_type=jnp.float32)
        out_ref[b] = logits + b2_ref[...]


def _rep(shape):
    nd = len(shape)
    return pl.BlockSpec(shape, lambda i: (0,) * nd)


@jax.jit
def kernel(node_feats, children, z, conv1_w, conv1_b, conv2_w, conv2_b,
           mlp_w1, mlp_b1, mlp_w2, mlp_b2):
    grid = (B // BB,)
    ch = children[:, :, 0].reshape(B, M, 3)
    w1T = conv1_w.transpose(2, 1, 0)
    w2T = conv2_w.transpose(2, 1, 0)
    b1 = conv1_b.reshape(1, H)
    b2 = conv2_b.reshape(1, H)
    wa = mlp_w1[:H]
    wb = mlp_w1[H:]
    w2m = mlp_w2
    mb1 = mlp_b1.reshape(1, H)
    mb2 = mlp_b2.reshape(1, O)

    x_spec = pl.BlockSpec((BB, N, C), lambda i: (i, 0, 0))
    ch_spec = pl.BlockSpec((BB, M, 3), lambda i: (i, 0, 0))
    part_spec = pl.BlockSpec((8, 128), lambda i: (0, 0))

    x1, part1 = pl.pallas_call(
        _conv1_kernel,
        grid=grid,
        in_specs=[pl.BlockSpec((BB, C, N), lambda i: (i, 0, 0)),
                  ch_spec, _rep((3, C, H)), _rep((1, H))],
        out_specs=[x_spec, part_spec],
        out_shape=[
            jax.ShapeDtypeStruct((B, N, H), jnp.float32),
            jax.ShapeDtypeStruct((8, 128), jnp.float32),
        ],
    )(node_feats, ch, w1T, b1)

    if True:
        return x1 * part1[0, 0]
    x2, part2 = pl.pallas_call(
        _conv2_kernel,
        grid=grid,
        in_specs=[x_spec, ch_spec, part_spec, _rep((3, H, H)), _rep((1, H))],
        out_specs=[x_spec, part_spec],
        out_shape=[
            jax.ShapeDtypeStruct((B, N, H), jnp.float32),
            jax.ShapeDtypeStruct((8, 128), jnp.float32),
        ],
    )(x1, ch, part1, w2T, b2)

    logits = pl.pallas_call(
        _mlp_kernel,
        grid=grid,
        in_specs=[
            x_spec, part_spec,
            pl.BlockSpec((BB, L), lambda i: (i, 0)),
            _rep((H, H)), _rep((L, H)), _rep((1, H)),
            _rep((H, O)), _rep((1, O)),
        ],
        out_specs=pl.BlockSpec((BB, N, O), lambda i: (i, 0, 0)),
        out_shape=jax.ShapeDtypeStruct((B, N, O), jnp.float32),
    )(x2, part2, z, wa, wb, mb1, w2m, mb2)

    return logits

# --- scband reference (transcript-rebuilt; emitter-appended) ---
"""Pipeline reference for scband-tree-decoder-17935783428632 (READ-ONLY COPY).

The authoritative reference and input builder live on the scoring server;
editing this copy changes nothing except your own understanding.
"""

import jax, jax.numpy as jnp
import numpy as np

LOGICAL_DIM = 64
HIDDEN_DIM = 64
LATENT_DIM = 32
NUM_PHYS_OPS = 64
B = 1024
N = 257  # nodes per tree incl. zero slot at index 0
TRIPLES = 3 * (N - 1)


def _tree_conv(trees, idxes, w, b):
    # trees: [B, C_in, N]; idxes: [B, 3*(N-1), 1] values in [0, N)
    # Equivalent to torch.gather(trees, 2, idxes.expand(-1,-1,C).transpose(1,2))
    Bd, C, _ = trees.shape
    idx = jnp.broadcast_to(idxes, (Bd, idxes.shape[1], C)).transpose(0, 2, 1)  # [B, C, 3*(N-1)]
    expanded = jnp.take_along_axis(trees, idx, axis=2)
    M = idxes.shape[1] // 3
    e = expanded.reshape(Bd, C, M, 3)
    # Conv1d(in, out, kernel_size=3, stride=3): w [out, in, 3], b [out]
    out = jnp.einsum('bcmk,ock->bom', e, w) + b[None, :, None]
    zero_vec = jnp.zeros((Bd, w.shape[0], 1), dtype=out.dtype)
    return jnp.concatenate([zero_vec, out], axis=2)  # [B, out, N]


def _tree_layer_norm(data):
    # Bao-style TreeLayerNorm: global mean/std over the whole tensor
    mean = jnp.mean(data)
    std = jnp.std(data, ddof=1)
    return (data - mean) / (std + 1e-5)


def setup_inputs(seed: int = 0) -> dict:
    key = jax.random.key(seed)
    ks = jax.random.split(key, 12)
    node_feats = jax.random.normal(ks[0], (B, LOGICAL_DIM, N), dtype=jnp.float32)
    children = jax.random.randint(ks[1], (B, TRIPLES, 1), 0, N, dtype=jnp.int64 if jax.config.jax_enable_x64 else jnp.int32).astype(jnp.int32)
    z = jax.random.normal(ks[2], (B, LATENT_DIM), dtype=jnp.float32)
    conv1_w = jax.random.normal(ks[3], (HIDDEN_DIM, LOGICAL_DIM, 3), dtype=jnp.float32) * 0.05
    conv1_b = jax.random.normal(ks[4], (HIDDEN_DIM,), dtype=jnp.float32) * 0.05
    conv2_w = jax.random.normal(ks[5], (HIDDEN_DIM, HIDDEN_DIM, 3), dtype=jnp.float32) * 0.05
    conv2_b = jax.random.normal(ks[6], (HIDDEN_DIM,), dtype=jnp.float32) * 0.05
    mlp_w1 = jax.random.normal(ks[7], (HIDDEN_DIM + LATENT_DIM, HIDDEN_DIM), dtype=jnp.float32) * 0.05
    mlp_b1 = jax.random.normal(ks[8], (HIDDEN_DIM,), dtype=jnp.float32) * 0.05
    mlp_w2 = jax.random.normal(ks[9], (HIDDEN_DIM, NUM_PHYS_OPS), dtype=jnp.float32) * 0.05
    mlp_b2 = jax.random.normal(ks[10], (NUM_PHYS_OPS,), dtype=jnp.float32) * 0.05
    return {
        'node_feats': node_feats, 'children': children, 'z': z,
        'conv1_w': conv1_w, 'conv1_b': conv1_b, 'conv2_w': conv2_w, 'conv2_b': conv2_b,
        'mlp_w1': mlp_w1, 'mlp_b1': mlp_b1, 'mlp_w2': mlp_w2, 'mlp_b2': mlp_b2,
    }


def reference(node_feats, children, z, conv1_w, conv1_b, conv2_w, conv2_b, mlp_w1, mlp_b1, mlp_w2, mlp_b2):
    x = _tree_conv(node_feats, children, conv1_w, conv1_b)
    x = jax.nn.relu(_tree_layer_norm(x))
    x = _tree_conv(x, children, conv2_w, conv2_b)
    x = jax.nn.relu(_tree_layer_norm(x))
    z_expanded = jnp.broadcast_to(z[:, :, None], (z.shape[0], z.shape[1], x.shape[2]))
    xz = jnp.concatenate([x, z_expanded], axis=1)  # [B, hidden+latent, N]
    xz = xz.transpose(0, 2, 1)  # [B, N, hidden+latent]
    h = jax.nn.relu(xz @ mlp_w1 + mlp_b1)
    logits = h @ mlp_w2 + mlp_b2
    return logits  # [B, N, num_phys_ops]

if __name__ == "__main__":
    import jax
    _d = setup_inputs()
    print(jax.jit(kernel)(*tuple(_d.values())))

</pallas_src>

<mosaic_0001>
module attributes {stable_mosaic.version = 14 : i64} {
  func.func @_conv1_kernel(%arg0: i32, %arg1: memref<8x64x257xf32, #tpu.memory_space<vmem>>, %arg2: memref<8x256x3xi32, #tpu.memory_space<vmem>>, %arg3: memref<3x64x64xf32, #tpu.memory_space<vmem>>, %arg4: memref<1x64xf32, #tpu.memory_space<vmem>>, %arg5: memref<8x257x64xf32, #tpu.memory_space<vmem>>, %arg6: memref<8x128xf32, #tpu.memory_space<vmem>>) attributes {dimension_semantics = [#tpu.dimension_semantics<arbitrary>], iteration_bounds = array<i64: 128>, scalar_prefetch = 0 : i64, scratch_operands = 0 : i64, tpu.core_type = #tpu.core_type<tc>, window_params = [{transform_indices = @transform_0, window_bounds = array<i64: 8, 64, 257>}, {transform_indices = @transform_1, window_bounds = array<i64: 8, 256, 3>}, {pipeline_mode = #tpu.pipeline_mode<synchronous>, transform_indices = @transform_2, window_bounds = array<i64: 3, 64, 64>}, {pipeline_mode = #tpu.pipeline_mode<synchronous>, transform_indices = @transform_3, window_bounds = array<i64: 1, 64>}, {transform_indices = @transform_4, window_bounds = array<i64: 8, 257, 64>}, {pipeline_mode = #tpu.pipeline_mode<synchronous>, transform_indices = @transform_5, window_bounds = array<i64: 8, 128>}]} {
    %broadcast_in_dim3A = arith.constant 0.000000e+00 : f32
    %broadcast_in_dim3A_0 = vector.broadcast %broadcast_in_dim3A : f32 to vector<256x64xf32>
    %broadcast_in_dim3A_1 = arith.constant 0.000000e+00 : f32
    %broadcast_in_dim3A_2 = vector.broadcast %broadcast_in_dim3A_1 : f32 to vector<256x64xf32>
    %iota3A = tpu.iota {dimensions = array<i32: 1>} : vector<256x257xi32>
    %get3A = arith.constant 0 : index
    %get3A_3 = arith.constant 0 : index
    %get3A_4 = arith.constant 0 : index
    %get3A_5 = vector.load %arg1[%get3A, %get3A_3, %get3A_4] : memref<8x64x257xf32, #tpu.memory_space<vmem>>, vector<1x64x257xf32>
    %get3A_6 = vector.shape_cast %get3A_5 : vector<1x64x257xf32> to vector<64x257xf32>
    %get3A_7 = arith.constant 0 : index
    %get3A_8 = arith.constant 0 : index
    %get3A_9 = arith.constant 0 : index
    %get3A_10 = vector.load %arg2[%get3A_7, %get3A_8, %get3A_9] : memref<8x256x3xi32, #tpu.memory_space<vmem>>, vector<1x256x3xi32>
    %get3A_11 = vector.shape_cast %get3A_10 : vector<1x256x3xi32> to vector<256x3xi32>
    %slice3A = vector.extract_strided_slice %get3A_11 {offsets = [0, 0], sizes = [256, 1], strides = [1, 1]} : vector<256x3xi32> to vector<256x1xi32>
    %eq3A = vector.broadcast %slice3A : vector<256x1xi32> to vector<256x257xi32>
    %eq3A_12 = arith.cmpi eq, %iota3A, %eq3A : vector<256x257xi32>
    %convert_element_type3A = arith.extui %eq3A_12 : vector<256x257xi1> to vector<256x257xi32>
    %convert_element_type3A_13 = arith.sitofp %convert_element_type3A : vector<256x257xi32> to vector<256x257xf32>
    %dot_general3A = arith.constant dense<0.000000e+00> : vector<256x64xf32>
    %dot_general3A_14 = tpu.matmul %convert_element_type3A_13, %get3A_6, %dot_general3A {dimension_numbers = #tpu.dot_dimension_numbers<[1], [1], [0], [0], [0, 0, 1, 0], [], []>, transpose_lhs_hint = false} : vector<256x257xf32>, vector<64x257xf32>, vector<256x64xf32> -> vector<256x64xf32>
    %get3A_15 = arith.constant 0 : index
    %get3A_16 = arith.constant 0 : index
    %get3A_17 = arith.constant 0 : index
    %get3A_18 = vector.load %arg3[%get3A_15, %get3A_16, %get3A_17] : memref<3x64x64xf32, #tpu.memory_space<vmem>>, vector<1x64x64xf32>
    %get3A_19 = vector.shape_cast %get3A_18 : vector<1x64x64xf32> to vector<64x64xf32>
    %dot_general3A_20 = arith.constant dense<0.000000e+00> : vector<256x64xf32>
    %dot_general3A_21 = tpu.matmul %dot_general3A_14, %get3A_19, %dot_general3A_20 {dimension_numbers = #tpu.dot_dimension_numbers<[1], [0], [0], [1], [0, 0, 1, 1], [], []>, transpose_lhs_hint = false} : vector<256x64xf32>, vector<64x64xf32>, vector<256x64xf32> -> vector<256x64xf32>
    %slice3A_22 = vector.extract_strided_slice %get3A_11 {offsets = [0, 1], sizes = [256, 1], strides = [1, 1]} : vector<256x3xi32> to vector<256x1xi32>
    %eq3A_23 = vector.broadcast %slice3A_22 : vector<256x1xi32> to vector<256x257xi32>
    %eq3A_24 = arith.cmpi eq, %iota3A, %eq3A_23 : vector<256x257xi32>
    %convert_element_type3A_25 = arith.extui %eq3A_24 : vector<256x257xi1> to vector<256x257xi32>
    %convert_element_type3A_26 = arith.sitofp %convert_element_type3A_25 : vector<256x257xi32> to vector<256x257xf32>
    %dot_general3A_27 = arith.constant dense<0.000000e+00> : vector<256x64xf32>
    %dot_general3A_28 = tpu.matmul %convert_element_type3A_26, %get3A_6, %dot_general3A_27 {dimension_numbers = #tpu.dot_dimension_numbers<[1], [1], [0], [0], [0, 0, 1, 0], [], []>, transpose_lhs_hint = false} : vector<256x257xf32>, vector<64x257xf32>, vector<256x64xf32> -> vector<256x64xf32>
    %get3A_29 = arith.constant 1 : index
    %get3A_30 = arith.constant 0 : index
    %get3A_31 = arith.constant 0 : index
    %get3A_32 = vector.load %arg3[%get3A_29, %get3A_30, %get3A_31] : memref<3x64x64xf32, #tpu.memory_space<vmem>>, vector<1x64x64xf32>
    %get3A_33 = vector.shape_cast %get3A_32 : vector<1x64x64xf32> to vector<64x64xf32>
    %dot_general3A_34 = arith.constant dense<0.000000e+00> : vector<256x64xf32>
    %dot_general3A_35 = tpu.matmul %dot_general3A_28, %get3A_33, %dot_general3A_34 {dimension_numbers = #tpu.dot_dimension_numbers<[1], [0], [0], [1], [0, 0, 1, 1], [], []>, transpose_lhs_hint = false} : vector<256x64xf32>, vector<64x64xf32>, vector<256x64xf32> -> vector<256x64xf32>
    %add3A = arith.addf %dot_general3A_21, %dot_general3A_35 : vector<256x64xf32>
    %slice3A_36 = vector.extract_strided_slice %get3A_11 {offsets = [0, 2], sizes = [256, 1], strides = [1, 1]} : vector<256x3xi32> to vector<256x1xi32>
    %eq3A_37 = vector.broadcast %slice3A_36 : vector<256x1xi32> to vector<256x257xi32>
    %eq3A_38 = arith.cmpi eq, %iota3A, %eq3A_37 : vector<256x257xi32>
    %convert_element_type3A_39 = arith.extui %eq3A_38 : vector<256x257xi1> to vector<256x257xi32>
    %convert_element_type3A_40 = arith.sitofp %convert_element_type3A_39 : vector<256x257xi32> to vector<256x257xf32>
    %dot_general3A_41 = arith.constant dense<0.000000e+00> : vector<256x64xf32>
    %dot_general3A_42 = tpu.matmul %convert_element_type3A_40, %get3A_6, %dot_general3A_41 {dimension_numbers = #tpu.dot_dimension_numbers<[1], [1], [0], [0], [0, 0, 1, 0], [], []>, transpose_lhs_hint = false} : vector<256x257xf32>, vector<64x257xf32>, vector<256x64xf32> -> vector<256x64xf32>
    %get3A_43 = arith.constant 2 : index
    %get3A_44 = arith.constant 0 : index
    %get3A_45 = arith.constant 0 : index
    %get3A_46 = vector.load %arg3[%get3A_43, %get3A_44, %get3A_45] : memref<3x64x64xf32, #tpu.memory_space<vmem>>, vector<1x64x64xf32>
    %get3A_47 = vector.shape_cast %get3A_46 : vector<1x64x64xf32> to vector<64x64xf32>
    %dot_general3A_48 = arith.constant dense<0.000000e+00> : vector<256x64xf32>
    %dot_general3A_49 = tpu.matmul %dot_general3A_42, %get3A_47, %dot_general3A_48 {dimension_numbers = #tpu.dot_dimension_numbers<[1], [0], [0], [1], [0, 0, 1, 1], [], []>, transpose_lhs_hint = false} : vector<256x64xf32>, vector<64x64xf32>, vector<256x64xf32> -> vector<256x64xf32>
    %add3A_50 = arith.addf %add3A, %dot_general3A_49 : vector<256x64xf32>
    %get3A_51 = arith.constant 0 : index
    %get3A_52 = arith.constant 0 : index
    %get3A_53 = vector.load %arg4[%get3A_51, %get3A_52] : memref<1x64xf32, #tpu.memory_space<vmem>>, vector<1x64xf32>
    %add3A_54 = vector.broadcast %get3A_53 : vector<1x64xf32> to vector<256x64xf32>
    %add3A_55 = arith.addf %add3A_50, %add3A_54 : vector<256x64xf32>
    %broadcast_in_dim3A_56 = arith.constant 0.000000e+00 : f32
    %broadcast_in_dim3A_57 = vector.broadcast %broadcast_in_dim3A_56 : f32 to vector<1x64xf32>
    %swap3A = arith.constant 0 : index
    %swap3A_58 = arith.constant 0 : index
    %swap3A_59 = arith.constant 0 : index
    %swap3A_60 = vector.load %arg5[%swap3A, %swap3A_58, %swap3A_59] : memref<8x257x64xf32, #tpu.memory_space<vmem>>, vector<1x1x64xf32>
    %swap3A_61 = vector.shape_cast %swap3A_60 : vector<1x1x64xf32> to vector<1x64xf32>
    %swap3A_62 = vector.shape_cast %broadcast_in_dim3A_57 : vector<1x64xf32> to vector<1x1x64xf32>
    tpu.vector_store %arg5[%swap3A, %swap3A_58, %swap3A_59], %swap3A_62 {strides = array<i32>} : memref<8x257x64xf32, #tpu.memory_space<vmem>>, vector<1x1x64xf32>,
    %swap3A_63 = arith.constant 0 : index
    %swap3A_64 = arith.constant 1 : index
    %swap3A_65 = arith.constant 0 : index
    %swap3A_66 = vector.load %arg5[%swap3A_63, %swap3A_64, %swap3A_65] : memref<8x257x64xf32, #tpu.memory_space<vmem>>, vector<1x256x64xf32>
    %swap3A_67 = vector.shape_cast %swap3A_66 : vector<1x256x64xf32> to vector<256x64xf32>
    %swap3A_68 = vector.shape_cast %add3A_55 : vector<256x64xf32> to vector<1x256x64xf32>
    tpu.vector_store %arg5[%swap3A_63, %swap3A_64, %swap3A_65], %swap3A_68 {strides = array<i32>} : memref<8x257x64xf32, #tpu.memory_space<vmem>>, vector<1x256x64xf32>,
    %add3A_69 = arith.addf %broadcast_in_dim3A_0, %add3A_55 : vector<256x64xf32>
    %mul3A = arith.mulf %add3A_55, %add3A_55 : vector<256x64xf32>
    %add3A_70 = arith.addf %broadcast_in_dim3A_2, %mul3A : vector<256x64xf32>
    %get3A_71 = arith.constant 1 : index
    %get3A_72 = arith.constant 0 : index
    %get3A_73 = arith.constant 0 : index
    %get3A_74 = vector.load %arg1[%get3A_71, %get3A_72, %get3A_73] : memref<8x64x257xf32, #tpu.memory_space<vmem>>, vector<1x64x257xf32>
    %get3A_75 = vector.shape_cast %get3A_74 : vector<1x64x257xf32> to vector<64x257xf32>
    %get3A_76 = arith.constant 1 : index
    %get3A_77 = arith.constant 0 : index
    %get3A_78 = arith.constant 0 : index
    %get3A_79 = vector.load %arg2[%get3A_76, %get3A_77, %get3A_78] : memref<8x256x3xi32, #tpu.memory_space<vmem>>, vector<1x256x3xi32>
    %get3A_80 = vector.shape_cast %get3A_79 : vector<1x256x3xi32> to vector<256x3xi32>
    %slice3A_81 = vector.extract_strided_slice %get3A_80 {offsets = [0, 0], sizes = [256, 1], strides = [1, 1]} : vector<256x3xi32> to vector<256x1xi32>
    %eq3A_82 = vector.broadcast %slice3A_81 : vector<256x1xi32> to vector<256x257xi32>
    %eq3A_83 = arith.cmpi eq, %iota3A, %eq3A_82 : vector<256x257xi32>
    %convert_element_type3A_84 = arith.extui %eq3A_83 : vector<256x257xi1> to vector<256x257xi32>
    %convert_element_type3A_85 = arith.sitofp %convert_element_type3A_84 : vector<256x257xi32> to vector<256x257xf32>
    %dot_general3A_86 = arith.constant dense<0.000000e+00> : vector<256x64xf32>
    %dot_general3A_87 = tpu.matmul %convert_element_type3A_85, %get3A_75, %dot_general3A_86 {dimension_numbers = #tpu.dot_dimension_numbers<[1], [1], [0], [0], [0, 0, 1, 0], [], []>, transpose_lhs_hint = false} : vector<256x257xf32>, vector<64x257xf32>, vector<256x64xf32> -> vector<256x64xf32>
    %get3A_88 = arith.constant 0 : index
    %get3A_89 = arith.constant 0 : index
    %get3A_90 = arith.constant 0 : index
    %get3A_91 = vector.load %arg3[%get3A_88, %get3A_89, %get3A_90] : memref<3x64x64xf32, #tpu.memory_space<vmem>>, vector<1x64x64xf32>
    %get3A_92 = vector.shape_cast %get3A_91 : vector<1x64x64xf32> to vector<64x64xf32>
    %dot_general3A_93 = arith.constant dense<0.000000e+00> : vector<256x64xf32>
    %dot_general3A_94 = tpu.matmul %dot_general3A_87, %get3A_92, %dot_general3A_93 {dimension_numbers = #tpu.dot_dimension_numbers<[1], [0], [0], [1], [0, 0, 1, 1], [], []>, transpose_lhs_hint = false} : vector<256x64xf32>, vector<64x64xf32>, vector<256x64xf32> -> vector<256x64xf32>
    %slice3A_95 = vector.extract_strided_slice %get3A_80 {offsets = [0, 1], sizes = [256, 1], strides = [1, 1]} : vector<256x3xi32> to vector<256x1xi32>
    %eq3A_96 = vector.broadcast %slice3A_95 : vector<256x1xi32> to vector<256x257xi32>
    %eq3A_97 = arith.cmpi eq, %iota3A, %eq3A_96 : vector<256x257xi32>
    %convert_element_type3A_98 = arith.extui %eq3A_97 : vector<256x257xi1> to vector<256x257xi32>
    %convert_element_type3A_99 = arith.sitofp %convert_element_type3A_98 : vector<256x257xi32> to vector<256x257xf32>
    %dot_general3A_100 = arith.constant dense<0.000000e+00> : vector<256x64xf32>
    %dot_general3A_101 = tpu.matmul %convert_element_type3A_99, %get3A_75, %dot_general3A_100 {dimension_numbers = #tpu.dot_dimension_numbers<[1], [1], [0], [0], [0, 0, 1, 0], [], []>, transpose_lhs_hint = false} : vector<256x257xf32>, vector<64x257xf32>, vector<256x64xf32> -> vector<256x64xf32>
    %get3A_102 = arith.constant 1 : index
    %get3A_103 = arith.constant 0 : index
    %get3A_104 = arith.constant 0 : index
    %get3A_105 = vector.load %arg3[%get3A_102, %get3A_103, %get3A_104] : memref<3x64x64xf32, #tpu.memory_space<vmem>>, vector<1x64x64xf32>
    %get3A_106 = vector.shape_cast %get3A_105 : vector<1x64x64xf32> to vector<64x64xf32>
    %dot_general3A_107 = arith.constant dense<0.000000e+00> : vector<256x64xf32>
    %dot_general3A_108 = tpu.matmul %dot_general3A_101, %get3A_106, %dot_general3A_107 {dimension_numbers = #tpu.dot_dimension_numbers<[1], [0], [0], [1], [0, 0, 1, 1], [], []>, transpose_lhs_hint = false} : vector<256x64xf32>, vector<64x64xf32>, vector<256x64xf32> -> vector<256x64xf32>
    %add3A_109 = arith.addf %dot_general3A_94, %dot_general3A_108 : vector<256x64xf32>
    %slice3A_110 = vector.extract_strided_slice %get3A_80 {offsets = [0, 2], sizes = [256, 1], strides = [1, 1]} : vector<256x3xi32> to vector<256x1xi32>
    %eq3A_111 = vector.broadcast %slice3A_110 : vector<256x1xi32> to vector<256x257xi32>
    %eq3A_112 = arith.cmpi eq, %iota3A, %eq3A_111 : vector<256x257xi32>
    %convert_element_type3A_113 = arith.extui %eq3A_112 : vector<256x257xi1> to vector<256x257xi32>
    %convert_element_type3A_114 = arith.sitofp %convert_element_type3A_113 : vector<256x257xi32> to vector<256x257xf32>
    %dot_general3A_115 = arith.constant dense<0.000000e+00> : vector<256x64xf32>
    %dot_general3A_116 = tpu.matmul %convert_element_type3A_114, %get3A_75, %dot_general3A_115 {dimension_numbers = #tpu.dot_dimension_numbers<[1], [1], [0], [0], [0, 0, 1, 0], [], []>, transpose_lhs_hint = false} : vector<256x257xf32>, vector<64x257xf32>, vector<256x64xf32> -> vector<256x64xf32>
    %get3A_117 = arith.constant 2 : index
    %get3A_118 = arith.constant 0 : index
    %get3A_119 = arith.constant 0 : index
    %get3A_120 = vector.load %arg3[%get3A_117, %get3A_118, %get3A_119] : memref<3x64x64xf32, #tpu.memory_space<vmem>>, vector<1x64x64xf32>
    %get3A_121 = vector.shape_cast %get3A_120 : vector<1x64x64xf32> to vector<64x64xf32>
    %dot_general3A_122 = arith.constant dense<0.000000e+00> : vector<256x64xf32>
    %dot_general3A_123 = tpu.matmul %dot_general3A_116, %get3A_121, %dot_general3A_122 {dimension_numbers = #tpu.dot_dimension_numbers<[1], [0], [0], [1], [0, 0, 1, 1], [], []>, transpose_lhs_hint = false} : vector<256x64xf32>, vector<64x64xf32>, vector<256x64xf32> -> vector<256x64xf32>
    %add3A_124 = arith.addf %add3A_109, %dot_general3A_123 : vector<256x64xf32>
    %get3A_125 = arith.constant 0 : index
    %get3A_126 = arith.constant 0 : index
    %get3A_127 = vector.load %arg4[%get3A_125, %get3A_126] : memref<1x64xf32, #tpu.memory_space<vmem>>, vector<1x64xf32>
    %add3A_128 = vector.broadcast %get3A_127 : vector<1x64xf32> to vector<256x64xf32>
    %add3A_129 = arith.addf %add3A_124, %add3A_128 : vector<256x64xf32>
    %broadcast_in_dim3A_130 = arith.constant 0.000000e+00 : f32
    %broadcast_in_dim3A_131 = vector.broadcast %broadcast_in_dim3A_130 : f32 to vector<1x64xf32>
    %swap3A_132 = arith.constant 1 : index
    %swap3A_133 = arith.constant 0 : index
    %swap3A_134 = arith.constant 0 : index
    %swap3A_135 = vector.load %arg5[%swap3A_132, %swap3A_133, %swap3A_134] : memref<8x257x64xf32, #tpu.memory_space<vmem>>, vector<1x1x64xf32>
    %swap3A_136 = vector.shape_cast %swap3A_135 : vector<1x1x64xf32> to vector<1x64xf32>
    %swap3A_137 = vector.shape_cast %broadcast_in_dim3A_131 : vector<1x64xf32> to vector<1x1x64xf32>
    tpu.vector_store %arg5[%swap3A_132, %swap3A_133, %swap3A_134], %swap3A_137 {strides = array<i32>} : memref<8x257x64xf32, #tpu.memory_space<vmem>>, vector<1x1x64xf32>,
    %swap3A_138 = arith.constant 1 : index
    %swap3A_139 = arith.constant 1 : index
    %swap3A_140 = arith.constant 0 : index
    %swap3A_141 = vector.load %arg5[%swap3A_138, %swap3A_139, %swap3A_140] : memref<8x257x64xf32, #tpu.memory_space<vmem>>, vector<1x256x64xf32>
    %swap3A_142 = vector.shape_cast %swap3A_141 : vector<1x256x64xf32> to vector<256x64xf32>
    %swap3A_143 = vector.shape_cast %add3A_129 : vector<256x64xf32> to vector<1x256x64xf32>
    tpu.vector_store %arg5[%swap3A_138, %swap3A_139, %swap3A_140], %swap3A_143 {strides = array<i32>} : memref<8x257x64xf32, #tpu.memory_space<vmem>>, vector<1x256x64xf32>,
    %add3A_144 = arith.addf %add3A_69, %add3A_129 : vector<256x64xf32>
    %mul3A_145 = arith.mulf %add3A_129, %add3A_129 : vector<256x64xf32>
    %add3A_146 = arith.addf %add3A_70, %mul3A_145 : vector<256x64xf32>
    %get3A_147 = arith.constant 2 : index
    %get3A_148 = arith.constant 0 : index
    %get3A_149 = arith.constant 0 : index
    %get3A_150 = vector.load %arg1[%get3A_147, %get3A_148, %get3A_149] : memref<8x64x257xf32, #tpu.memory_space<vmem>>, vector<1x64x257xf32>
    %get3A_151 = vector.shape_cast %get3A_150 : vector<1x64x257xf32> to vector<64x257xf32>
    %get3A_152 = arith.constant 2 : index
    %get3A_153 = arith.constant 0 : index
    %get3A_154 = arith.constant 0 : index
    %get3A_155 = vector.load %arg2[%get3A_152, %get3A_153, %get3A_154] : memref<8x256x3xi32, #tpu.memory_space<vmem>>, vector<1x256x3xi32>
    %get3A_156 = vector.shape_cast %get3A_155 : vector<1x256x3xi32> to vector<256x3xi32>
    %slice3A_157 = vector.extract_strided_slice %get3A_156 {offsets = [0, 0], sizes = [256, 1], strides = [1, 1]} : vector<256x3xi32> to vector<256x1xi32>
    %eq3A_158 = vector.broadcast %slice3A_157 : vector<256x1xi32> to vector<256x257xi32>
    %eq3A_159 = arith.cmpi eq, %iota3A, %eq3A_158 : vector<256x257xi32>
    %convert_element_type3A_160 = arith.extui %eq3A_159 : vector<256x257xi1> to vector<256x257xi32>
    %convert_element_type3A_161 = arith.sitofp %convert_element_type3A_160 : vector<256x257xi32> to vector<256x257xf32>
    %dot_general3A_162 = arith.constant dense<0.000000e+00> : vector<256x64xf32>
    %dot_general3A_163 = tpu.matmul %convert_element_type3A_161, %get3A_151, %dot_general3A_162 {dimension_numbers = #tpu.dot_dimension_numbers<[1], [1], [0], [0], [0, 0, 1, 0], [], []>, transpose_lhs_hint = false} : vector<256x257xf32>, vector<64x257xf32>, vector<256x64xf32> -> vector<256x64xf32>
    %get3A_164 = arith.constant 0 : index
    %get3A_165 = arith.constant 0 : index
    %get3A_166 = arith.constant 0 : index
    %get3A_167 = vector.load %arg3[%get3A_164, %get3A_165, %get3A_166] : memref<3x64x64xf32, #tpu.memory_space<vmem>>, vector<1x64x64xf32>
    %get3A_168 = vector.shape_cast %get3A_167 : vector<1x64x64xf32> to vector<64x64xf32>
    %dot_general3A_169 = arith.constant dense<0.000000e+00> : vector<256x64xf32>
    %dot_general3A_170 = tpu.matmul %dot_general3A_163, %get3A_168, %dot_general3A_169 {dimension_numbers = #tpu.dot_dimension_numbers<[1], [0], [0], [1], [0, 0, 1, 1], [], []>, transpose_lhs_hint = false} : vector<256x64xf32>, vector<64x64xf32>, vector<256x64xf32> -> vector<256x64xf32>
    %slice3A_171 = vector.extract_strided_slice %get3A_156 {offsets = [0, 1], sizes = [256, 1], strides = [1, 1]} : vector<256x3xi32> to vector<256x1xi32>
    %eq3A_172 = vector.broadcast %slice3A_171 : vector<256x1xi32> to vector<256x257xi32>
    %eq3A_173 = arith.cmpi eq, %iota3A, %eq3A_172 : vector<256x257xi32>
    %convert_element_type3A_174 = arith.extui %eq3A_173 : vector<256x257xi1> to vector<256x257xi32>
    %convert_element_type3A_175 = arith.sitofp %convert_element_type3A_174 : vector<256x257xi32> to vector<256x257xf32>
    %dot_general3A_176 = arith.constant dense<0.000000e+00> : vector<256x64xf32>
    %dot_general3A_177 = tpu.matmul %convert_element_type3A_175, %get3A_151, %dot_general3A_176 {dimension_numbers = #tpu.dot_dimension_numbers<[1], [1], [0], [0], [0, 0, 1, 0], [], []>, transpose_lhs_hint = false} : vector<256x257xf32>, vector<64x257xf32>, vector<256x64xf32> -> vector<256x64xf32>
    %get3A_178 = arith.constant 1 : index
    %get3A_179 = arith.constant 0 : index
    %get3A_180 = arith.constant 0 : index
    %get3A_181 = vector.load %arg3[%get3A_178, %get3A_179, %get3A_180] : memref<3x64x64xf32, #tpu.memory_space<vmem>>, vector<1x64x64xf32>
    %get3A_182 = vector.shape_cast %get3A_181 : vector<1x64x64xf32> to vector<64x64xf32>
    %dot_general3A_183 = arith.constant dense<0.000000e+00> : vector<256x64xf32>
    %dot_general3A_184 = tpu.matmul %dot_general3A_177, %get3A_182, %dot_general3A_183 {dimension_numbers = #tpu.dot_dimension_numbers<[1], [0], [0], [1], [0, 0, 1, 1], [], []>, transpose_lhs_hint = false} : vector<256x64xf32>, vector<64x64xf32>, vector<256x64xf32> -> vector<256x64xf32>
    %add3A_185 = arith.addf %dot_general3A_170, %dot_general3A_184 : vector<256x64xf32>
    %slice3A_186 = vector.extract_strided_slice %get3A_156 {offsets = [0, 2], sizes = [256, 1], strides = [1, 1]} : vector<256x3xi32> to vector<256x1xi32>
    %eq3A_187 = vector.broadcast %slice3A_186 : vector<256x1xi32> to vector<256x257xi32>
    %eq3A_188 = arith.cmpi eq, %iota3A, %eq3A_187 : vector<256x257xi32>
    %convert_element_type3A_189 = arith.extui %eq3A_188 : vector<256x257xi1> to vector<256x257xi32>
    %convert_element_type3A_190 = arith.sitofp %convert_element_type3A_189 : vector<256x257xi32> to vector<256x257xf32>
    %dot_general3A_191 = arith.constant dense<0.000000e+00> : vector<256x64xf32>
    %dot_general3A_192 = tpu.matmul %convert_element_type3A_190, %get3A_151, %dot_general3A_191 {dimension_numbers = #tpu.dot_dimension_numbers<[1], [1], [0], [0], [0, 0, 1, 0], [], []>, transpose_lhs_hint = false} : vector<256x257xf32>, vector<64x257xf32>, vector<256x64xf32> -> vector<256x64xf32>
    %get3A_193 = arith.constant 2 : index
    %get3A_194 = arith.constant 0 : index
    %get3A_195 = arith.constant 0 : index
    %get3A_196 = vector.load %arg3[%get3A_193, %get3A_194, %get3A_195] : memref<3x64x64xf32, #tpu.memory_space<vmem>>, vector<1x64x64xf32>
    %get3A_197 = vector.shape_cast %get3A_196 : vector<1x64x64xf32> to vector<64x64xf32>
    %dot_general3A_198 = arith.constant dense<0.000000e+00> : vector<256x64xf32>
    %dot_general3A_199 = tpu.matmul %dot_general3A_192, %get3A_197, %dot_general3A_198 {dimension_numbers = #tpu.dot_dimension_numbers<[1], [0], [0], [1], [0, 0, 1, 1], [], []>, transpose_lhs_hint = false} : vector<256x64xf32>, vector<64x64xf32>, vector<256x64xf32> -> vector<256x64xf32>
    %add3A_200 = arith.addf %add3A_185, %dot_general3A_199 : vector<256x64xf32>
    %get3A_201 = arith.constant 0 : index
    %get3A_202 = arith.constant 0 : index
    %get3A_203 = vector.load %arg4[%get3A_201, %get3A_202] : memref<1x64xf32, #tpu.memory_space<vmem>>, vector<1x64xf32>
    %add3A_204 = vector.broadcast %get3A_203 : vector<1x64xf32> to vector<256x64xf32>
    %add3A_205 = arith.addf %add3A_200, %add3A_204 : vector<256x64xf32>
    %broadcast_in_dim3A_206 = arith.constant 0.000000e+00 : f32
    %broadcast_in_dim3A_207 = vector.broadcast %broadcast_in_dim3A_206 : f32 to vector<1x64xf32>
    %swap3A_208 = arith.constant 2 : index
    %swap3A_209 = arith.constant 0 : index
    %swap3A_210 = arith.constant 0 : index
    %swap3A_211 = vector.load %arg5[%swap3A_208, %swap3A_209, %swap3A_210] : memref<8x257x64xf32, #tpu.memory_space<vmem>>, vector<1x1x64xf32>
    %swap3A_212 = vector.shape_cast %swap3A_211 : vector<1x1x64xf32> to vector<1x64xf32>
    %swap3A_213 = vector.shape_cast %broadcast_in_dim3A_207 : vector<1x64xf32> to vector<1x1x64xf32>
    tpu.vector_store %arg5[%swap3A_208, %swap3A_209, %swap3A_210], %swap3A_213 {strides = array<i32>} : memref<8x257x64xf32, #tpu.memory_space<vmem>>, vector<1x1x64xf32>,
    %swap3A_214 = arith.constant 2 : index
    %swap3A_215 = arith.constant 1 : index
    %swap3A_216 = arith.constant 0 : index
    %swap3A_217 = vector.load %arg5[%swap3A_214, %swap3A_215, %swap3A_216] : memref<8x257x64xf32, #tpu.memory_space<vmem>>, vector<1x256x64xf32>
    %swap3A_218 = vector.shape_cast %swap3A_217 : vector<1x256x64xf32> to vector<256x64xf32>
    %swap3A_219 = vector.shape_cast %add3A_205 : vector<256x64xf32> to vector<1x256x64xf32>
    tpu.vector_store %arg5[%swap3A_214, %swap3A_215, %swap3A_216], %swap3A_219 {strides = array<i32>} : memref<8x257x64xf32, #tpu.memory_space<vmem>>, vector<1x256x64xf32>,
    %add3A_220 = arith.addf %add3A_144, %add3A_205 : vector<256x64xf32>
    %mul3A_221 = arith.mulf %add3A_205, %add3A_205 : vector<256x64xf32>
    %add3A_222 = arith.addf %add3A_146, %mul3A_221 : vector<256x64xf32>
    %get3A_223 = arith.constant 3 : index
    %get3A_224 = arith.constant 0 : index
    %get3A_225 = arith.constant 0 : index
    %get3A_226 = vector.load %arg1[%get3A_223, %get3A_224, %get3A_225] : memref<8x64x257xf32, #tpu.memory_space<vmem>>, vector<1x64x257xf32>
    %get3A_227 = vector.shape_cast %get3A_226 : vector<1x64x257xf32> to vector<64x257xf32>
    %get3A_228 = arith.constant 3 : index
    %get3A_229 = arith.constant 0 : index
    %get3A_230 = arith.constant 0 : index
    %get3A_231 = vector.load %arg2[%get3A_228, %get3A_229, %get3A_230] : memref<8x256x3xi32, #tpu.memory_space<vmem>>, vector<1x256x3xi32>
    %get3A_232 = vector.shape_cast %get3A_231 : vector<1x256x3xi32> to vector<256x3xi32>
    %slice3A_233 = vector.extract_strided_slice %get3A_232 {offsets = [0, 0], sizes = [256, 1], strides = [1, 1]} : vector<256x3xi32> to vector<256x1xi32>
    %eq3A_234 = vector.broadcast %slice3A_233 : vector<256x1xi32> to vector<256x257xi32>
    %eq3A_235 = arith.cmpi eq, %iota3A, %eq3A_234 : vector<256x257xi32>
    %convert_element_type3A_236 = arith.extui %eq3A_235 : vector<256x257xi1> to vector<256x257xi32>
    %convert_element_type3A_237 = arith.sitofp %convert_element_type3A_236 : vector<256x257xi32> to vector<256x257xf32>
    %dot_general3A_238 = arith.constant dense<0.000000e+00> : vector<256x64xf32>
    %dot_general3A_239 = tpu.matmul %convert_element_type3A_237, %get3A_227, %dot_general3A_238 {dimension_numbers = #tpu.dot_dimension_numbers<[1], [1], [0], [0], [0, 0, 1, 0], [], []>, transpose_lhs_hint = false} : vector<256x257xf32>, vector<64x257xf32>, vector<256x64xf32> -> vector<256x64xf32>
    %get3A_240 = arith.constant 0 : index
    %get3A_241 = arith.constant 0 : index
    %get3A_242 = arith.constant 0 : index
    %get3A_243 = vector.load %arg3[%get3A_240, %get3A_241, %get3A_242] : memref<3x64x64xf32, #tpu.memory_space<vmem>>, vector<1x64x64xf32>
    %get3A_244 = vector.shape_cast %get3A_243 : vector<1x64x64xf32> to vector<64x64xf32>
    %dot_general3A_245 = arith.constant dense<0.000000e+00> : vector<256x64xf32>
    %dot_general3A_246 = tpu.matmul %dot_general3A_239, %get3A_244, %dot_general3A_245 {dimension_numbers = #tpu.dot_dimension_numbers<[1], [0], [0], [1], [0, 0, 1, 1], [], []>, transpose_lhs_hint = false} : vector<256x64xf32>, vector<64x64xf32>, vector<256x64xf32> -> vector<256x64xf32>
    %slice3A_247 = vector.extract_strided_slice %get3A_232 {offsets = [0, 1], sizes = [256, 1], strides = [1, 1]} : vector<256x3xi32> to vector<256x1xi32>
    %eq3A_248 = vector.broadcast %slice3A_247 : vector<256x1xi32> to vector<256x257xi32>
    %eq3A_249 = arith.cmpi eq, %iota3A, %eq3A_248 : vector<256x257xi32>
    %convert_element_type3A_250 = arith.extui %eq3A_249 : vector<256x257xi1> to vector<256x257xi32>
    %convert_element_type3A_251 = arith.sitofp %convert_element_type3A_250 : vector<256x257xi32> to vector<256x257xf32>
    %dot_general3A_252 = arith.constant dense<0.000000e+00> : vector<256x64xf32>
    %dot_general3A_253 = tpu.matmul %convert_element_type3A_251, %get3A_227, %dot_general3A_252 {dimension_numbers = #tpu.dot_dimension_numbers<[1], [1], [0], [0], [0, 0, 1, 0], [], []>, transpose_lhs_hint = false} : vector<256x257xf32>, vector<64x257xf32>, vector<256x64xf32> -> vector<256x64xf32>
    %get3A_254 = arith.constant 1 : index
    %get3A_255 = arith.constant 0 : index
    %get3A_256 = arith.constant 0 : index
    %get3A_257 = vector.load %arg3[%get3A_254, %get3A_255, %get3A_256] : memref<3x64x64xf32, #tpu.memory_space<vmem>>, vector<1x64x64xf32>
    %get3A_258 = vector.shape_cast %get3A_257 : vector<1x64x64xf32> to vector<64x64xf32>
    %dot_general3A_259 = arith.constant dense<0.000000e+00> : vector<256x64xf32>
    %dot_general3A_260 = tpu.matmul %dot_general3A_253, %get3A_258, %dot_general3A_259 {dimension_numbers = #tpu.dot_dimension_numbers<[1], [0], [0], [1], [0, 0, 1, 1], [], []>, transpose_lhs_hint = false} : vector<256x64xf32>, vector<64x64xf32>, vector<256x64xf32> -> vector<256x64xf32>
    %add3A_261 = arith.addf %dot_general3A_246, %dot_general3A_260 : vector<256x64xf32>
    %slice3A_262 = vector.extract_strided_slice %get3A_232 {offsets = [0, 2], sizes = [256, 1], strides = [1, 1]} : vector<256x3xi32> to vector<256x1xi32>
    %eq3A_263 = vector.broadcast %slice3A_262 : vector<256x1xi32> to vector<256x257xi32>
    %eq3A_264 = arith.cmpi eq, %iota3A, %eq3A_263 : vector<256x257xi32>
    %convert_element_type3A_265 = arith.extui %eq3A_264 : vector<256x257xi1> to vector<256x257xi32>
    %convert_element_type3A_266 = arith.sitofp %convert_element_type3A_265 : vector<256x257xi32> to vector<256x257xf32>
    %dot_general3A_267 = arith.constant dense<0.000000e+00> : vector<256x64xf32>
    %dot_general3A_268 = tpu.matmul %convert_element_type3A_266, %get3A_227, %dot_general3A_267 {dimension_numbers = #tpu.dot_dimension_numbers<[1], [1], [0], [0], [0, 0, 1, 0], [], []>, transpose_lhs_hint = false} : vector<256x257xf32>, vector<64x257xf32>, vector<256x64xf32> -> vector<256x64xf32>
    %get3A_269 = arith.constant 2 : index
    %get3A_270 = arith.constant 0 : index
    %get3A_271 = arith.constant 0 : index
    %get3A_272 = vector.load %arg3[%get3A_269, %get3A_270, %get3A_271] : memref<3x64x64xf32, #tpu.memory_space<vmem>>, vector<1x64x64xf32>
    %get3A_273 = vector.shape_cast %get3A_272 : vector<1x64x64xf32> to vector<64x64xf32>
    %dot_general3A_274 = arith.constant dense<0.000000e+00> : vector<256x64xf32>
    %dot_general3A_275 = tpu.matmul %dot_general3A_268, %get3A_273, %dot_general3A_274 {dimension_numbers = #tpu.dot_dimension_numbers<[1], [0], [0], [1], [0, 0, 1, 1], [], []>, transpose_lhs_hint = false} : vector<256x64xf32>, vector<64x64xf32>, vector<256x64xf32> -> vector<256x64xf32>
    %add3A_276 = arith.addf %add3A_261, %dot_general3A_275 : vector<256x64xf32>
    %get3A_277 = arith.constant 0 : index
    %get3A_278 = arith.constant 0 : index
    %get3A_279 = vector.load %arg4[%get3A_277, %get3A_278] : memref<1x64xf32, #tpu.memory_space<vmem>>, vector<1x64xf32>
    %add3A_280 = vector.broadcast %get3A_279 : vector<1x64xf32> to vector<256x64xf32>
    %add3A_281 = arith.addf %add3A_276, %add3A_280 : vector<256x64xf32>
    %broadcast_in_dim3A_282 = arith.constant 0.000000e+00 : f32
    %broadcast_in_dim3A_283 = vector.broadcast %broadcast_in_dim3A_282 : f32 to vector<1x64xf32>
    %swap3A_284 = arith.constant 3 : index
    %swap3A_285 = arith.constant 0 : index
    %swap3A_286 = arith.constant 0 : index
    %swap3A_287 = vector.load %arg5[%swap3A_284, %swap3A_285, %swap3A_286] : memref<8x257x64xf32, #tpu.memory_space<vmem>>, vector<1x1x64xf32>
    %swap3A_288 = vector.shape_cast %swap3A_287 : vector<1x1x64xf32> to vector<1x64xf32>
    %swap3A_289 = vector.shape_cast %broadcast_in_dim3A_283 : vector<1x64xf32> to vector<1x1x64xf32>
    tpu.vector_store %arg5[%swap3A_284, %swap3A_285, %swap3A_286], %swap3A_289 {strides = array<i32>} : memref<8x257x64xf32, #tpu.memory_space<vmem>>, vector<1x1x64xf32>,
    %swap3A_290 = arith.constant 3 : index
    %swap3A_291 = arith.constant 1 : index
    %swap3A_292 = arith.constant 0 : index
    %swap3A_293 = vector.load %arg5[%swap3A_290, %swap3A_291, %swap3A_292] : memref<8x257x64xf32, #tpu.memory_space<vmem>>, vector<1x256x64xf32>
    %swap3A_294 = vector.shape_cast %swap3A_293 : vector<1x256x64xf32> to vector<256x64xf32>
    %swap3A_295 = vector.shape_cast %add3A_281 : vector<256x64xf32> to vector<1x256x64xf32>
    tpu.vector_store %arg5[%swap3A_290, %swap3A_291, %swap3A_292], %swap3A_295 {strides = array<i32>} : memref<8x257x64xf32, #tpu.memory_space<vmem>>, vector<1x256x64xf32>,
    %add3A_296 = arith.addf %add3A_220, %add3A_281 : vector<256x64xf32>
    %mul3A_297 = arith.mulf %add3A_281, %add3A_281 : vector<256x64xf32>
    %add3A_298 = arith.addf %add3A_222, %mul3A_297 : vector<256x64xf32>
    %get3A_299 = arith.constant 4 : index
    %get3A_300 = arith.constant 0 : index
    %get3A_301 = arith.constant 0 : index
    %get3A_302 = vector.load %arg1[%get3A_299, %get3A_300, %get3A_301] : memref<8x64x257xf32, #tpu.memory_space<vmem>>, vector<1x64x257xf32>
    %get3A_303 = vector.shape_cast %get3A_302 : vector<1x64x257xf32> to vector<64x257xf32>
    %get3A_304 = arith.constant 4 : index
    %get3A_305 = arith.constant 0 : index
    %get3A_306 = arith.constant 0 : index
    %get3A_307 = vector.load %arg2[%get3A_304, %get3A_305, %get3A_306] : memref<8x256x3xi32, #tpu.memory_space<vmem>>, vector<1x256x3xi32>
    %get3A_308 = vector.shape_cast %get3A_307 : vector<1x256x3xi32> to vector<256x3xi32>
    %slice3A_309 = vector.extract_strided_slice %get3A_308 {offsets = [0, 0], sizes = [256, 1], strides = [1, 1]} : vector<256x3xi32> to vector<256x1xi32>
    %eq3A_310 = vector.broadcast %slice3A_309 : vector<256x1xi32> to vector<256x257xi32>
    %eq3A_311 = arith.cmpi eq, %iota3A, %eq3A_310 : vector<256x257xi32>
    %convert_element_type3A_312 = arith.extui %eq3A_311 : vector<256x257xi1> to vector<256x257xi32>
    %convert_element_type3A_313 = arith.sitofp %convert_element_type3A_312 : vector<256x257xi32> to vector<256x257xf32>
    %dot_general3A_314 = arith.constant dense<0.000000e+00> : vector<256x64xf32>
    %dot_general3A_315 = tpu.matmul %convert_element_type3A_313, %get3A_303, %dot_general3A_314 {dimension_numbers = #tpu.dot_dimension_numbers<[1], [1], [0], [0], [0, 0, 1, 0], [], []>, transpose_lhs_hint = false} : vector<256x257xf32>, vector<64x257xf32>, vector<256x64xf32> -> vector<256x64xf32>
    %get3A_316 = arith.constant 0 : index
    %get3A_317 = arith.constant 0 : index
    %get3A_318 = arith.constant 0 : index
    %get3A_319 = vector.load %arg3[%get3A_316, %get3A_317, %get3A_318] : memref<3x64x64xf32, #tpu.memory_space<vmem>>, vector<1x64x64xf32>
    %get3A_320 = vector.shape_cast %get3A_319 : vector<1x64x64xf32> to vector<64x64xf32>
    %dot_general3A_321 = arith.constant dense<0.000000e+00> : vector<256x64xf32>
    %dot_general3A_322 = tpu.matmul %dot_general3A_315, %get3A_320, %dot_general3A_321 {dimension_numbers = #tpu.dot_dimension_numbers<[1], [0], [0], [1], [0, 0, 1, 1], [], []>, transpose_lhs_hint = false} : vector<256x64xf32>, vector<64x64xf32>, vector<256x64xf32> -> vector<256x64xf32>
    %slice3A_323 = vector.extract_strided_slice %get3A_308 {offsets = [0, 1], sizes = [256, 1], strides = [1, 1]} : vector<256x3xi32> to vector<256x1xi32>
    %eq3A_324 = vector.broadcast %slice3A_323 : vector<256x1xi32> to vector<256x257xi32>
    %eq3A_325 = arith.cmpi eq, %iota3A, %eq3A_324 : vector<256x257xi32>
    %convert_element_type3A_326 = arith.extui %eq3A_325 : vector<256x257xi1> to vector<256x257xi32>
    %convert_element_type3A_327 = arith.sitofp %convert_element_type3A_326 : vector<256x257xi32> to vector<256x257xf32>
    %dot_general3A_328 = arith.constant dense<0.000000e+00> : vector<256x64xf32>
    %dot_general3A_329 = tpu.matmul %convert_element_type3A_327, %get3A_303, %dot_general3A_328 {dimension_numbers = #tpu.dot_dimension_numbers<[1], [1], [0], [0], [0, 0, 1, 0], [], []>, transpose_lhs_hint = false} : vector<256x257xf32>, vector<64x257xf32>, vector<256x64xf32> -> vector<256x64xf32>
    %get3A_330 = arith.constant 1 : index
    %get3A_331 = arith.constant 0 : index
    %get3A_332 = arith.constant 0 : index
    %get3A_333 = vector.load %arg3[%get3A_330, %get3A_331, %get3A_332] : memref<3x64x64xf32, #tpu.memory_space<vmem>>, vector<1x64x64xf32>
    %get3A_334 = vector.shape_cast %get3A_333 : vector<1x64x64xf32> to vector<64x64xf32>
    %dot_general3A_335 = arith.constant dense<0.000000e+00> : vector<256x64xf32>
    %dot_general3A_336 = tpu.matmul %dot_general3A_329, %get3A_334, %dot_general3A_335 {dimension_numbers = #tpu.dot_dimension_numbers<[1], [0], [0], [1], [0, 0, 1, 1], [], []>, transpose_lhs_hint = false} : vector<256x64xf32>, vector<64x64xf32>, vector<256x64xf32> -> vector<256x64xf32>
    %add3A_337 = arith.addf %dot_general3A_322, %dot_general3A_336 : vector<256x64xf32>
    %slice3A_338 = vector.extract_strided_slice %get3A_308 {offsets = [0, 2], sizes = [256, 1], strides = [1, 1]} : vector<256x3xi32> to vector<256x1xi32>
    %eq3A_339 = vector.broadcast %slice3A_338 : vector<256x1xi32> to vector<256x257xi32>
    %eq3A_340 = arith.cmpi eq, %iota3A, %eq3A_339 : vector<256x257xi32>
    %convert_element_type3A_341 = arith.extui %eq3A_340 : vector<256x257xi1> to vector<256x257xi32>
    %convert_element_type3A_342 = arith.sitofp %convert_element_type3A_341 : vector<256x257xi32> to vector<256x257xf32>
    %dot_general3A_343 = arith.constant dense<0.000000e+00> : vector<256x64xf32>
    %dot_general3A_344 = tpu.matmul %convert_element_type3A_342, %get3A_303, %dot_general3A_343 {dimension_numbers = #tpu.dot_dimension_numbers<[1], [1], [0], [0], [0, 0, 1, 0], [], []>, transpose_lhs_hint = false} : vector<256x257xf32>, vector<64x257xf32>, vector<256x64xf32> -> vector<256x64xf32>
    %get3A_345 = arith.constant 2 : index
    %get3A_346 = arith.constant 0 : index
    %get3A_347 = arith.constant 0 : index
    %get3A_348 = vector.load %arg3[%get3A_345, %get3A_346, %get3A_347] : memref<3x64x64xf32, #tpu.memory_space<vmem>>, vector<1x64x64xf32>
    %get3A_349 = vector.shape_cast %get3A_348 : vector<1x64x64xf32> to vector<64x64xf32>
    %dot_general3A_350 = arith.constant dense<0.000000e+00> : vector<256x64xf32>
    %dot_general3A_351 = tpu.matmul %dot_general3A_344, %get3A_349, %dot_general3A_350 {dimension_numbers = #tpu.dot_dimension_numbers<[1], [0], [0], [1], [0, 0, 1, 1], [], []>, transpose_lhs_hint = false} : vector<256x64xf32>, vector<64x64xf32>, vector<256x64xf32> -> vector<256x64xf32>
    %add3A_352 = arith.addf %add3A_337, %dot_general3A_351 : vector<256x64xf32>
    %get3A_353 = arith.constant 0 : index
    %get3A_354 = arith.constant 0 : index
    %get3A_355 = vector.load %arg4[%get3A_353, %get3A_354] : memref<1x64xf32, #tpu.memory_space<vmem>>, vector<1x64xf32>
    %add3A_356 = vector.broadcast %get3A_355 : vector<1x64xf32> to vector<256x64xf32>
    %add3A_357 = arith.addf %add3A_352, %add3A_356 : vector<256x64xf32>
    %broadcast_in_dim3A_358 = arith.constant 0.000000e+00 : f32
    %broadcast_in_dim3A_359 = vector.broadcast %broadcast_in_dim3A_358 : f32 to vector<1x64xf32>
    %swap3A_360 = arith.constant 4 : index
    %swap3A_361 = arith.constant 0 : index
    %swap3A_362 = arith.constant 0 : index
    %swap3A_363 = vector.load %arg5[%swap3A_360, %swap3A_361, %swap3A_362] : memref<8x257x64xf32, #tpu.memory_space<vmem>>, vector<1x1x64xf32>
    %swap3A_364 = vector.shape_cast %swap3A_363 : vector<1x1x64xf32> to vector<1x64xf32>
    %swap3A_365 = vector.shape_cast %broadcast_in_dim3A_359 : vector<1x64xf32> to vector<1x1x64xf32>
    tpu.vector_store %arg5[%swap3A_360, %swap3A_361, %swap3A_362], %swap3A_365 {strides = array<i32>} : memref<8x257x64xf32, #tpu.memory_space<vmem>>, vector<1x1x64xf32>,
    %swap3A_366 = arith.constant 4 : index
    %swap3A_367 = arith.constant 1 : index
    %swap3A_368 = arith.constant 0 : index
    %swap3A_369 = vector.load %arg5[%swap3A_366, %swap3A_367, %swap3A_368] : memref<8x257x64xf32, #tpu.memory_space<vmem>>, vector<1x256x64xf32>
    %swap3A_370 = vector.shape_cast %swap3A_369 : vector<1x256x64xf32> to vector<256x64xf32>
    %swap3A_371 = vector.shape_cast %add3A_357 : vector<256x64xf32> to vector<1x256x64xf32>
    tpu.vector_store %arg5[%swap3A_366, %swap3A_367, %swap3A_368], %swap3A_371 {strides = array<i32>} : memref<8x257x64xf32, #tpu.memory_space<vmem>>, vector<1x256x64xf32>,
    %add3A_372 = arith.addf %add3A_296, %add3A_357 : vector<256x64xf32>
    %mul3A_373 = arith.mulf %add3A_357, %add3A_357 : vector<256x64xf32>
    %add3A_374 = arith.addf %add3A_298, %mul3A_373 : vector<256x64xf32>
    %get3A_375 = arith.constant 5 : index
    %get3A_376 = arith.constant 0 : index
    %get3A_377 = arith.constant 0 : index
    %get3A_378 = vector.load %arg1[%get3A_375, %get3A_376, %get3A_377] : memref<8x64x257xf32, #tpu.memory_space<vmem>>, vector<1x64x257xf32>
    %get3A_379 = vector.shape_cast %get3A_378 : vector<1x64x257xf32> to vector<64x257xf32>
    %get3A_380 = arith.constant 5 : index
    %get3A_381 = arith.constant 0 : index
    %get3A_382 = arith.constant 0 : index
    %get3A_383 = vector.load %arg2[%get3A_380, %get3A_381, %get3A_382] : memref<8x256x3xi32, #tpu.memory_space<vmem>>, vector<1x256x3xi32>
    %get3A_384 = vector.shape_cast %get3A_383 : vector<1x256x3xi32> to vector<256x3xi32>
    %slice3A_385 = vector.extract_strided_slice %get3A_384 {offsets = [0, 0], sizes = [256, 1], strides = [1, 1]} : vector<256x3xi32> to vector<256x1xi32>
    %eq3A_386 = vector.broadcast %slice3A_385 : vector<256x1xi32> to vector<256x257xi32>
    %eq3A_387 = arith.cmpi eq, %iota3A, %eq3A_386 : vector<256x257xi32>
    %convert_element_type3A_388 = arith.extui %eq3A_387 : vector<256x257xi1> to vector<256x257xi32>
    %convert_element_type3A_389 = arith.sitofp %convert_element_type3A_388 : vector<256x257xi32> to vector<256x257xf32>
    %dot_general3A_390 = arith.constant dense<0.000000e+00> : vector<256x64xf32>
    %dot_general3A_391 = tpu.matmul %convert_element_type3A_389, %get3A_379, %dot_general3A_390 {dimension_numbers = #tpu.dot_dimension_numbers<[1], [1], [0], [0], [0, 0, 1, 0], [], []>, transpose_lhs_hint = false} : vector<256x257xf32>, vector<64x257xf32>, vector<256x64xf32> -> vector<256x64xf32>
    %get3A_392 = arith.constant 0 : index
    %get3A_393 = arith.constant 0 : index
    %get3A_394 = arith.constant 0 : index
    %get3A_395 = vector.load %arg3[%get3A_392, %get3A_393, %get3A_394] : memref<3x64x64xf32, #tpu.memory_space<vmem>>, vector<1x64x64xf32>
    %get3A_396 = vector.shape_cast %get3A_395 : vector<1x64x64xf32> to vector<64x64xf32>
    %dot_general3A_397 = arith.constant dense<0.000000e+00> : vector<256x64xf32>
    %dot_general3A_398 = tpu.matmul %dot_general3A_391, %get3A_396, %dot_general3A_397 {dimension_numbers = #tpu.dot_dimension_numbers<[1], [0], [0], [1], [0, 0, 1, 1], [], []>, transpose_lhs_hint = false} : vector<256x64xf32>, vector<64x64xf32>, vector<256x64xf32> -> vector<256x64xf32>
    %slice3A_399 = vector.extract_strided_slice %get3A_384 {offsets = [0, 1], sizes = [256, 1], strides = [1, 1]} : vector<256x3xi32> to vector<256x1xi32>
    %eq3A_400 = vector.broadcast %slice3A_399 : vector<256x1xi32> to vector<256x257xi32>
    %eq3A_401 = arith.cmpi eq, %iota3A, %eq3A_400 : vector<256x257xi32>
    %convert_element_type3A_402 = arith.extui %eq3A_401 : vector<256x257xi1> to vector<256x257xi32>
    %convert_element_type3A_403 = arith.sitofp %convert_element_type3A_402 : vector<256x257xi32> to vector<256x257xf32>
    %dot_general3A_404 = arith.constant dense<0.000000e+00> : vector<256x64xf32>
    %dot_general3A_405 = tpu.matmul %convert_element_type3A_403, %get3A_379, %dot_general3A_404 {dimension_numbers = #tpu.dot_dimension_numbers<[1], [1], [0], [0], [0, 0, 1, 0], [], []>, transpose_lhs_hint = false} : vector<256x257xf32>, vector<64x257xf32>, vector<256x64xf32> -> vector<256x64xf32>
    %get3A_406 = arith.constant 1 : index
    %get3A_407 = arith.constant 0 : index
    %get3A_408 = arith.constant 0 : index
    %get3A_409 = vector.load %arg3[%get3A_406, %get3A_407, %get3A_408] : memref<3x64x64xf32, #tpu.memory_space<vmem>>, vector<1x64x64xf32>
    %get3A_410 = vector.shape_cast %get3A_409 : vector<1x64x64xf32> to vector<64x64xf32>
    %dot_general3A_411 = arith.constant dense<0.000000e+00> : vector<256x64xf32>
    %dot_general3A_412 = tpu.matmul %dot_general3A_405, %get3A_410, %dot_general3A_411 {dimension_numbers = #tpu.dot_dimension_numbers<[1], [0], [0], [1], [0, 0, 1, 1], [], []>, transpose_lhs_hint = false} : vector<256x64xf32>, vector<64x64xf32>, vector<256x64xf32> -> vector<256x64xf32>
    %add3A_413 = arith.addf %dot_general3A_398, %dot_general3A_412 : vector<256x64xf32>
    %slice3A_414 = vector.extract_strided_slice %get3A_384 {offsets = [0, 2], sizes = [256, 1], strides = [1, 1]} : vector<256x3xi32> to vector<256x1xi32>
    %eq3A_415 = vector.broadcast %slice3A_414 : vector<256x1xi32> to vector<256x257xi32>
    %eq3A_416 = arith.cmpi eq, %iota3A, %eq3A_415 : vector<256x257xi32>
    %convert_element_type3A_417 = arith.extui %eq3A_416 : vector<256x257xi1> to vector<256x257xi32>
    %convert_element_type3A_418 = arith.sitofp %convert_element_type3A_417 : vector<256x257xi32> to vector<256x257xf32>
    %dot_general3A_419 = arith.constant dense<0.000000e+00> : vector<256x64xf32>
    %dot_general3A_420 = tpu.matmul %convert_element_type3A_418, %get3A_379, %dot_general3A_419 {dimension_numbers = #tpu.dot_dimension_numbers<[1], [1], [0], [0], [0, 0, 1, 0], [], []>, transpose_lhs_hint = false} : vector<256x257xf32>, vector<64x257xf32>, vector<256x64xf32> -> vector<256x64xf32>
    %get3A_421 = arith.constant 2 : index
    %get3A_422 = arith.constant 0 : index
    %get3A_423 = arith.constant 0 : index
    %get3A_424 = vector.load %arg3[%get3A_421, %get3A_422, %get3A_423] : memref<3x64x64xf32, #tpu.memory_space<vmem>>, vector<1x64x64xf32>
    %get3A_425 = vector.shape_cast %get3A_424 : vector<1x64x64xf32> to vector<64x64xf32>
    %dot_general3A_426 = arith.constant dense<0.000000e+00> : vector<256x64xf32>
    %dot_general3A_427 = tpu.matmul %dot_general3A_420, %get3A_425, %dot_general3A_426 {dimension_numbers = #tpu.dot_dimension_numbers<[1], [0], [0], [1], [0, 0, 1, 1], [], []>, transpose_lhs_hint = false} : vector<256x64xf32>, vector<64x64xf32>, vector<256x64xf32> -> vector<256x64xf32>
    %add3A_428 = arith.addf %add3A_413, %dot_general3A_427 : vector<256x64xf32>
    %get3A_429 = arith.constant 0 : index
    %get3A_430 = arith.constant 0 : index
    %get3A_431 = vector.load %arg4[%get3A_429, %get3A_430] : memref<1x64xf32, #tpu.memory_space<vmem>>, vector<1x64xf32>
    %add3A_432 = vector.broadcast %get3A_431 : vector<1x64xf32> to vector<256x64xf32>
    %add3A_433 = arith.addf %add3A_428, %add3A_432 : vector<256x64xf32>
    %broadcast_in_dim3A_434 = arith.constant 0.000000e+00 : f32
    %broadcast_in_dim3A_435 = vector.broadcast %broadcast_in_dim3A_434 : f32 to vector<1x64xf32>
    %swap3A_436 = arith.constant 5 : index
    %swap3A_437 = arith.constant 0 : index
    %swap3A_438 = arith.constant 0 : index
    %swap3A_439 = vector.load %arg5[%swap3A_436, %swap3A_437, %swap3A_438] : memref<8x257x64xf32, #tpu.memory_space<vmem>>, vector<1x1x64xf32>
    %swap3A_440 = vector.shape_cast %swap3A_439 : vector<1x1x64xf32> to vector<1x64xf32>
    %swap3A_441 = vector.shape_cast %broadcast_in_dim3A_435 : vector<1x64xf32> to vector<1x1x64xf32>
    tpu.vector_store %arg5[%swap3A_436, %swap3A_437, %swap3A_438], %swap3A_441 {strides = array<i32>} : memref<8x257x64xf32, #tpu.memory_space<vmem>>, vector<1x1x64xf32>,
    %swap3A_442 = arith.constant 5 : index
    %swap3A_443 = arith.constant 1 : index
    %swap3A_444 = arith.constant 0 : index
    %swap3A_445 = vector.load %arg5[%swap3A_442, %swap3A_443, %swap3A_444] : memref<8x257x64xf32, #tpu.memory_space<vmem>>, vector<1x256x64xf32>
    %swap3A_446 = vector.shape_cast %swap3A_445 : vector<1x256x64xf32> to vector<256x64xf32>
    %swap3A_447 = vector.shape_cast %add3A_433 : vector<256x64xf32> to vector<1x256x64xf32>
    tpu.vector_store %arg5[%swap3A_442, %swap3A_443, %swap3A_444], %swap3A_447 {strides = array<i32>} : memref<8x257x64xf32, #tpu.memory_space<vmem>>, vector<1x256x64xf32>,
    %add3A_448 = arith.addf %add3A_372, %add3A_433 : vector<256x64xf32>
    %mul3A_449 = arith.mulf %add3A_433, %add3A_433 : vector<256x64xf32>
    %add3A_450 = arith.addf %add3A_374, %mul3A_449 : vector<256x64xf32>
    %get3A_451 = arith.constant 6 : index
    %get3A_452 = arith.constant 0 : index
    %get3A_453 = arith.constant 0 : index
    %get3A_454 = vector.load %arg1[%get3A_451, %get3A_452, %get3A_453] : memref<8x64x257xf32, #tpu.memory_space<vmem>>, vector<1x64x257xf32>
    %get3A_455 = vector.shape_cast %get3A_454 : vector<1x64x257xf32> to vector<64x257xf32>
    %get3A_456 = arith.constant 6 : index
    %get3A_457 = arith.constant 0 : index
    %get3A_458 = arith.constant 0 : index
    %get3A_459 = vector.load %arg2[%get3A_456, %get3A_457, %get3A_458] : memref<8x256x3xi32, #tpu.memory_space<vmem>>, vector<1x256x3xi32>
    %get3A_460 = vector.shape_cast %get3A_459 : vector<1x256x3xi32> to vector<256x3xi32>
    %slice3A_461 = vector.extract_strided_slice %get3A_460 {offsets = [0, 0], sizes = [256, 1], strides = [1, 1]} : vector<256x3xi32> to vector<256x1xi32>
    %eq3A_462 = vector.broadcast %slice3A_461 : vector<256x1xi32> to vector<256x257xi32>
    %eq3A_463 = arith.cmpi eq, %iota3A, %eq3A_462 : vector<256x257xi32>
    %convert_element_type3A_464 = arith.extui %eq3A_463 : vector<256x257xi1> to vector<256x257xi32>
    %convert_element_type3A_465 = arith.sitofp %convert_element_type3A_464 : vector<256x257xi32> to vector<256x257xf32>
    %dot_general3A_466 = arith.constant dense<0.000000e+00> : vector<256x64xf32>
    %dot_general3A_467 = tpu.matmul %convert_element_type3A_465, %get3A_455, %dot_general3A_466 {dimension_numbers = #tpu.dot_dimension_numbers<[1], [1], [0], [0], [0, 0, 1, 0], [], []>, transpose_lhs_hint = false} : vector<256x257xf32>, vector<64x257xf32>, vector<256x64xf32> -> vector<256x64xf32>
    %get3A_468 = arith.constant 0 : index
    %get3A_469 = arith.constant 0 : index
    %get3A_470 = arith.constant 0 : index
    %get3A_471 = vector.load %arg3[%get3A_468, %get3A_469, %get3A_470] : memref<3x64x64xf32, #tpu.memory_space<vmem>>, vector<1x64x64xf32>
    %get3A_472 = vector.shape_cast %get3A_471 : vector<1x64x64xf32> to vector<64x64xf32>
    %dot_general3A_473 = arith.constant dense<0.000000e+00> : vector<256x64xf32>
    %dot_general3A_474 = tpu.matmul %dot_general3A_467, %get3A_472, %dot_general3A_473 {dimension_numbers = #tpu.dot_dimension_numbers<[1], [0], [0], [1], [0, 0, 1, 1], [], []>, transpose_lhs_hint = false} : vector<256x64xf32>, vector<64x64xf32>, vector<256x64xf32> -> vector<256x64xf32>
    %slice3A_475 = vector.extract_strided_slice %get3A_460 {offsets = [0, 1], sizes = [256, 1], strides = [1, 1]} : vector<256x3xi32> to vector<256x1xi32>
    %eq3A_476 = vector.broadcast %slice3A_475 : vector<256x1xi32> to vector<256x257xi32>
    %eq3A_477 = arith.cmpi eq, %iota3A, %eq3A_476 : vector<256x257xi32>
    %convert_element_type3A_478 = arith.extui %eq3A_477 : vector<256x257xi1> to vector<256x257xi32>
    %convert_element_type3A_479 = arith.sitofp %convert_element_type3A_478 : vector<256x257xi32> to vector<256x257xf32>
    %dot_general3A_480 = arith.constant dense<0.000000e+00> : vector<256x64xf32>
    %dot_general3A_481 = tpu.matmul %convert_element_type3A_479, %get3A_455, %dot_general3A_480 {dimension_numbers = #tpu.dot_dimension_numbers<[1], [1], [0], [0], [0, 0, 1, 0], [], []>, transpose_lhs_hint = false} : vector<256x257xf32>, vector<64x257xf32>, vector<256x64xf32> -> vector<256x64xf32>
    %get3A_482 = arith.constant 1 : index
    %get3A_483 = arith.constant 0 : index
    %get3A_484 = arith.constant 0 : index
    %get3A_485 = vector.load %arg3[%get3A_482, %get3A_483, %get3A_484] : memref<3x64x64xf32, #tpu.memory_space<vmem>>, vector<1x64x64xf32>
    %get3A_486 = vector.shape_cast %get3A_485 : vector<1x64x64xf32> to vector<64x64xf32>
    %dot_general3A_487 = arith.constant dense<0.000000e+00> : vector<256x64xf32>
    %dot_general3A_488 = tpu.matmul %dot_general3A_481, %get3A_486, %dot_general3A_487 {dimension_numbers = #tpu.dot_dimension_numbers<[1], [0], [0], [1], [0, 0, 1, 1], [], []>, transpose_lhs_hint = false} : vector<256x64xf32>, vector<64x64xf32>, vector<256x64xf32> -> vector<256x64xf32>
    %add3A_489 = arith.addf %dot_general3A_474, %dot_general3A_488 : vector<256x64xf32>
    %slice3A_490 = vector.extract_strided_slice %get3A_460 {offsets = [0, 2], sizes = [256, 1], strides = [1, 1]} : vector<256x3xi32> to vector<256x1xi32>
    %eq3A_491 = vector.broadcast %slice3A_490 : vector<256x1xi32> to vector<256x257xi32>
    %eq3A_492 = arith.cmpi eq, %iota3A, %eq3A_491 : vector<256x257xi32>
    %convert_element_type3A_493 = arith.extui %eq3A_492 : vector<256x257xi1> to vector<256x257xi32>
    %convert_element_type3A_494 = arith.sitofp %convert_element_type3A_493 : vector<256x257xi32> to vector<256x257xf32>
    %dot_general3A_495 = arith.constant dense<0.000000e+00> : vector<256x64xf32>
    %dot_general3A_496 = tpu.matmul %convert_element_type3A_494, %get3A_455, %dot_general3A_495 {dimension_numbers = #tpu.dot_dimension_numbers<[1], [1], [0], [0], [0, 0, 1, 0], [], []>, transpose_lhs_hint = false} : vector<256x257xf32>, vector<64x257xf32>, vector<256x64xf32> -> vector<256x64xf32>
    %get3A_497 = arith.constant 2 : index
    %get3A_498 = arith.constant 0 : index
    %get3A_499 = arith.constant 0 : index
    %get3A_500 = vector.load %arg3[%get3A_497, %get3A_498, %get3A_499] : memref<3x64x64xf32, #tpu.memory_space<vmem>>, vector<1x64x64xf32>
    %get3A_501 = vector.shape_cast %get3A_500 : vector<1x64x64xf32> to vector<64x64xf32>
    %dot_general3A_502 = arith.constant dense<0.000000e+00> : vector<256x64xf32>
    %dot_general3A_503 = tpu.matmul %dot_general3A_496, %get3A_501, %dot_general3A_502 {dimension_numbers = #tpu.dot_dimension_numbers<[1], [0], [0], [1], [0, 0, 1, 1], [], []>, transpose_lhs_hint = false} : vector<256x64xf32>, vector<64x64xf32>, vector<256x64xf32> -> vector<256x64xf32>
    %add3A_504 = arith.addf %add3A_489, %dot_general3A_503 : vector<256x64xf32>
    %get3A_505 = arith.constant 0 : index
    %get3A_506 = arith.constant 0 : index
    %get3A_507 = vector.load %arg4[%get3A_505, %get3A_506] : memref<1x64xf32, #tpu.memory_space<vmem>>, vector<1x64xf32>
    %add3A_508 = vector.broadcast %get3A_507 : vector<1x64xf32> to vector<256x64xf32>
    %add3A_509 = arith.addf %add3A_504, %add3A_508 : vector<256x64xf32>
    %broadcast_in_dim3A_510 = arith.constant 0.000000e+00 : f32
    %broadcast_in_dim3A_511 = vector.broadcast %broadcast_in_dim3A_510 : f32 to vector<1x64xf32>
    %swap3A_512 = arith.constant 6 : index
    %swap3A_513 = arith.constant 0 : index
    %swap3A_514 = arith.constant 0 : index
    %swap3A_515 = vector.load %arg5[%swap3A_512, %swap3A_513, %swap3A_514] : memref<8x257x64xf32, #tpu.memory_space<vmem>>, vector<1x1x64xf32>
    %swap3A_516 = vector.shape_cast %swap3A_515 : vector<1x1x64xf32> to vector<1x64xf32>
    %swap3A_517 = vector.shape_cast %broadcast_in_dim3A_511 : vector<1x64xf32> to vector<1x1x64xf32>
    tpu.vector_store %arg5[%swap3A_512, %swap3A_513, %swap3A_514], %swap3A_517 {strides = array<i32>} : memref<8x257x64xf32, #tpu.memory_space<vmem>>, vector<1x1x64xf32>,
    %swap3A_518 = arith.constant 6 : index
    %swap3A_519 = arith.constant 1 : index
    %swap3A_520 = arith.constant 0 : index
    %swap3A_521 = vector.load %arg5[%swap3A_518, %swap3A_519, %swap3A_520] : memref<8x257x64xf32, #tpu.memory_space<vmem>>, vector<1x256x64xf32>
    %swap3A_522 = vector.shape_cast %swap3A_521 : vector<1x256x64xf32> to vector<256x64xf32>
    %swap3A_523 = vector.shape_cast %add3A_509 : vector<256x64xf32> to vector<1x256x64xf32>
    tpu.vector_store %arg5[%swap3A_518, %swap3A_519, %swap3A_520], %swap3A_523 {strides = array<i32>} : memref<8x257x64xf32, #tpu.memory_space<vmem>>, vector<1x256x64xf32>,
    %add3A_524 = arith.addf %add3A_448, %add3A_509 : vector<256x64xf32>
    %mul3A_525 = arith.mulf %add3A_509, %add3A_509 : vector<256x64xf32>
    %add3A_526 = arith.addf %add3A_450, %mul3A_525 : vector<256x64xf32>
    %get3A_527 = arith.constant 7 : index
    %get3A_528 = arith.constant 0 : index
    %get3A_529 = arith.constant 0 : index
    %get3A_530 = vector.load %arg1[%get3A_527, %get3A_528, %get3A_529] : memref<8x64x257xf32, #tpu.memory_space<vmem>>, vector<1x64x257xf32>
    %get3A_531 = vector.shape_cast %get3A_530 : vector<1x64x257xf32> to vector<64x257xf32>
    %get3A_532 = arith.constant 7 : index
    %get3A_533 = arith.constant 0 : index
    %get3A_534 = arith.constant 0 : index
    %get3A_535 = vector.load %arg2[%get3A_532, %get3A_533, %get3A_534] : memref<8x256x3xi32, #tpu.memory_space<vmem>>, vector<1x256x3xi32>
    %get3A_536 = vector.shape_cast %get3A_535 : vector<1x256x3xi32> to vector<256x3xi32>
    %slice3A_537 = vector.extract_strided_slice %get3A_536 {offsets = [0, 0], sizes = [256, 1], strides = [1, 1]} : vector<256x3xi32> to vector<256x1xi32>
    %eq3A_538 = vector.broadcast %slice3A_537 : vector<256x1xi32> to vector<256x257xi32>
    %eq3A_539 = arith.cmpi eq, %iota3A, %eq3A_538 : vector<256x257xi32>
    %convert_element_type3A_540 = arith.extui %eq3A_539 : vector<256x257xi1> to vector<256x257xi32>
    %convert_element_type3A_541 = arith.sitofp %convert_element_type3A_540 : vector<256x257xi32> to vector<256x257xf32>
    %dot_general3A_542 = arith.constant dense<0.000000e+00> : vector<256x64xf32>
    %dot_general3A_543 = tpu.matmul %convert_element_type3A_541, %get3A_531, %dot_general3A_542 {dimension_numbers = #tpu.dot_dimension_numbers<[1], [1], [0], [0], [0, 0, 1, 0], [], []>, transpose_lhs_hint = false} : vector<256x257xf32>, vector<64x257xf32>, vector<256x64xf32> -> vector<256x64xf32>
    %get3A_544 = arith.constant 0 : index
    %get3A_545 = arith.constant 0 : index
    %get3A_546 = arith.constant 0 : index
    %get3A_547 = vector.load %arg3[%get3A_544, %get3A_545, %get3A_546] : memref<3x64x64xf32, #tpu.memory_space<vmem>>, vector<1x64x64xf32>
    %get3A_548 = vector.shape_cast %get3A_547 : vector<1x64x64xf32> to vector<64x64xf32>
    %dot_general3A_549 = arith.constant dense<0.000000e+00> : vector<256x64xf32>
    %dot_general3A_550 = tpu.matmul %dot_general3A_543, %get3A_548, %dot_general3A_549 {dimension_numbers = #tpu.dot_dimension_numbers<[1], [0], [0], [1], [0, 0, 1, 1], [], []>, transpose_lhs_hint = false} : vector<256x64xf32>, vector<64x64xf32>, vector<256x64xf32> -> vector<256x64xf32>
    %slice3A_551 = vector.extract_strided_slice %get3A_536 {offsets = [0, 1], sizes = [256, 1], strides = [1, 1]} : vector<256x3xi32> to vector<256x1xi32>
    %eq3A_552 = vector.broadcast %slice3A_551 : vector<256x1xi32> to vector<256x257xi32>
    %eq3A_553 = arith.cmpi eq, %iota3A, %eq3A_552 : vector<256x257xi32>
    %convert_element_type3A_554 = arith.extui %eq3A_553 : vector<256x257xi1> to vector<256x257xi32>
    %convert_element_type3A_555 = arith.sitofp %convert_element_type3A_554 : vector<256x257xi32> to vector<256x257xf32>
    %dot_general3A_556 = arith.constant dense<0.000000e+00> : vector<256x64xf32>
    %dot_general3A_557 = tpu.matmul %convert_element_type3A_555, %get3A_531, %dot_general3A_556 {dimension_numbers = #tpu.dot_dimension_numbers<[1], [1], [0], [0], [0, 0, 1, 0], [], []>, transpose_lhs_hint = false} : vector<256x257xf32>, vector<64x257xf32>, vector<256x64xf32> -> vector<256x64xf32>
    %get3A_558 = arith.constant 1 : index
    %get3A_559 = arith.constant 0 : index
    %get3A_560 = arith.constant 0 : index
    %get3A_561 = vector.load %arg3[%get3A_558, %get3A_559, %get3A_560] : memref<3x64x64xf32, #tpu.memory_space<vmem>>, vector<1x64x64xf32>
    %get3A_562 = vector.shape_cast %get3A_561 : vector<1x64x64xf32> to vector<64x64xf32>
    %dot_general3A_563 = arith.constant dense<0.000000e+00> : vector<256x64xf32>
    %dot_general3A_564 = tpu.matmul %dot_general3A_557, %get3A_562, %dot_general3A_563 {dimension_numbers = #tpu.dot_dimension_numbers<[1], [0], [0], [1], [0, 0, 1, 1], [], []>, transpose_lhs_hint = false} : vector<256x64xf32>, vector<64x64xf32>, vector<256x64xf32> -> vector<256x64xf32>
    %add3A_565 = arith.addf %dot_general3A_550, %dot_general3A_564 : vector<256x64xf32>
    %slice3A_566 = vector.extract_strided_slice %get3A_536 {offsets = [0, 2], sizes = [256, 1], strides = [1, 1]} : vector<256x3xi32> to vector<256x1xi32>
    %eq3A_567 = vector.broadcast %slice3A_566 : vector<256x1xi32> to vector<256x257xi32>
    %eq3A_568 = arith.cmpi eq, %iota3A, %eq3A_567 : vector<256x257xi32>
    %convert_element_type3A_569 = arith.extui %eq3A_568 : vector<256x257xi1> to vector<256x257xi32>
    %convert_element_type3A_570 = arith.sitofp %convert_element_type3A_569 : vector<256x257xi32> to vector<256x257xf32>
    %dot_general3A_571 = arith.constant dense<0.000000e+00> : vector<256x64xf32>
    %dot_general3A_572 = tpu.matmul %convert_element_type3A_570, %get3A_531, %dot_general3A_571 {dimension_numbers = #tpu.dot_dimension_numbers<[1], [1], [0], [0], [0, 0, 1, 0], [], []>, transpose_lhs_hint = false} : vector<256x257xf32>, vector<64x257xf32>, vector<256x64xf32> -> vector<256x64xf32>
    %get3A_573 = arith.constant 2 : index
    %get3A_574 = arith.constant 0 : index
    %get3A_575 = arith.constant 0 : index
    %get3A_576 = vector.load %arg3[%get3A_573, %get3A_574, %get3A_575] : memref<3x64x64xf32, #tpu.memory_space<vmem>>, vector<1x64x64xf32>
    %get3A_577 = vector.shape_cast %get3A_576 : vector<1x64x64xf32> to vector<64x64xf32>
    %dot_general3A_578 = arith.constant dense<0.000000e+00> : vector<256x64xf32>
    %dot_general3A_579 = tpu.matmul %dot_general3A_572, %get3A_577, %dot_general3A_578 {dimension_numbers = #tpu.dot_dimension_numbers<[1], [0], [0], [1], [0, 0, 1, 1], [], []>, transpose_lhs_hint = false} : vector<256x64xf32>, vector<64x64xf32>, vector<256x64xf32> -> vector<256x64xf32>
    %add3A_580 = arith.addf %add3A_565, %dot_general3A_579 : vector<256x64xf32>
    %get3A_581 = arith.constant 0 : index
    %get3A_582 = arith.constant 0 : index
    %get3A_583 = vector.load %arg4[%get3A_581, %get3A_582] : memref<1x64xf32, #tpu.memory_space<vmem>>, vector<1x64xf32>
    %add3A_584 = vector.broadcast %get3A_583 : vector<1x64xf32> to vector<256x64xf32>
    %add3A_585 = arith.addf %add3A_580, %add3A_584 : vector<256x64xf32>
    %broadcast_in_dim3A_586 = arith.constant 0.000000e+00 : f32
    %broadcast_in_dim3A_587 = vector.broadcast %broadcast_in_dim3A_586 : f32 to vector<1x64xf32>
    %swap3A_588 = arith.constant 7 : index
    %swap3A_589 = arith.constant 0 : index
    %swap3A_590 = arith.constant 0 : index
    %swap3A_591 = vector.load %arg5[%swap3A_588, %swap3A_589, %swap3A_590] : memref<8x257x64xf32, #tpu.memory_space<vmem>>, vector<1x1x64xf32>
    %swap3A_592 = vector.shape_cast %swap3A_591 : vector<1x1x64xf32> to vector<1x64xf32>
    %swap3A_593 = vector.shape_cast %broadcast_in_dim3A_587 : vector<1x64xf32> to vector<1x1x64xf32>
    tpu.vector_store %arg5[%swap3A_588, %swap3A_589, %swap3A_590], %swap3A_593 {strides = array<i32>} : memref<8x257x64xf32, #tpu.memory_space<vmem>>, vector<1x1x64xf32>,
    %swap3A_594 = arith.constant 7 : index
    %swap3A_595 = arith.constant 1 : index
    %swap3A_596 = arith.constant 0 : index
    %swap3A_597 = vector.load %arg5[%swap3A_594, %swap3A_595, %swap3A_596] : memref<8x257x64xf32, #tpu.memory_space<vmem>>, vector<1x256x64xf32>
    %swap3A_598 = vector.shape_cast %swap3A_597 : vector<1x256x64xf32> to vector<256x64xf32>
    %swap3A_599 = vector.shape_cast %add3A_585 : vector<256x64xf32> to vector<1x256x64xf32>
    tpu.vector_store %arg5[%swap3A_594, %swap3A_595, %swap3A_596], %swap3A_599 {strides = array<i32>} : memref<8x257x64xf32, #tpu.memory_space<vmem>>, vector<1x256x64xf32>,
    %add3A_600 = arith.addf %add3A_524, %add3A_585 : vector<256x64xf32>
    %mul3A_601 = arith.mulf %add3A_585, %add3A_585 : vector<256x64xf32>
    %add3A_602 = arith.addf %add3A_526, %mul3A_601 : vector<256x64xf32>
    %reduce_sum3A = vector.shape_cast %add3A_600 : vector<256x64xf32> to vector<1x256x64xf32>
    %reduce_sum3A_603 = arith.constant dense<0.000000e+00> : vector<1xf32>
    %reduce_sum3A_604 = vector.multi_reduction <add>, %reduce_sum3A, %reduce_sum3A_603 [1, 2] : vector<1x256x64xf32> to vector<1xf32>
    %reduce_sum3A_605 = vector.shape_cast %reduce_sum3A_604 : vector<1xf32> to vector<1x1x1xf32>
    %reduce_sum3A_606 = vector.extract %reduce_sum3A_605[0, 0, 0] : f32 from vector<1x1x1xf32>
    %reduce_sum3A_607 = vector.shape_cast %add3A_602 : vector<256x64xf32> to vector<1x256x64xf32>
    %reduce_sum3A_608 = arith.constant dense<0.000000e+00> : vector<1xf32>
    %reduce_sum3A_609 = vector.multi_reduction <add>, %reduce_sum3A_607, %reduce_sum3A_608 [1, 2] : vector<1x256x64xf32> to vector<1xf32>
    %reduce_sum3A_610 = vector.shape_cast %reduce_sum3A_609 : vector<1xf32> to vector<1x1x1xf32>
    %reduce_sum3A_611 = vector.extract %reduce_sum3A_610[0, 0, 0] : f32 from vector<1x1x1xf32>
    %eq3A_612 = arith.constant 0 : i32
    %eq3A_613 = arith.cmpi eq, %arg0, %eq3A_612 : i32
    %convert_element_type3A_614 = arith.extui %eq3A_613 : i1 to i32
    %cond3A = arith.constant 0 : i32
    %cond3A_615 = arith.cmpi ne, %convert_element_type3A_614, %cond3A : i32
    scf.if %cond3A_615 {
      %broadcast_in_dim3A_645 = arith.constant 0.000000e+00 : f32
      %broadcast_in_dim3A_646 = vector.broadcast %broadcast_in_dim3A_645 : f32 to vector<8x128xf32>
      %swap3A_647 = arith.constant 0 : index
      %swap3A_648 = arith.constant 0 : index
      %swap3A_649 = vector.load %arg6[%swap3A_647, %swap3A_648] : memref<8x128xf32, #tpu.memory_space<vmem>>, vector<8x128xf32>
      tpu.vector_store %arg6[%swap3A_647, %swap3A_648], %broadcast_in_dim3A_646 {strides = array<i32>} : memref<8x128xf32, #tpu.memory_space<vmem>>, vector<8x128xf32>,
    } else {
    }
    %iota3A_616 = tpu.iota {dimensions = array<i32: 0>} : vector<8x128xi32>
    %iota3A_617 = tpu.iota {dimensions = array<i32: 1>} : vector<8x128xi32>
    %eq3A_618 = arith.constant 0 : i32
    %eq3A_619 = vector.broadcast %eq3A_618 : i32 to vector<8x128xi32>
    %eq3A_620 = arith.cmpi eq, %iota3A_616, %eq3A_619 : vector<8x128xi32>
    %eq3A_621 = arith.constant 0 : i32
    %eq3A_622 = vector.broadcast %eq3A_621 : i32 to vector<8x128xi32>
    %eq3A_623 = arith.cmpi eq, %iota3A_617, %eq3A_622 : vector<8x128xi32>
    %and3A = arith.andi %eq3A_620, %eq3A_623 : vector<8x128xi1>
    %jit3A = arith.constant 0.000000e+00 : f32
    %broadcast_in_dim3A_624 = vector.broadcast %reduce_sum3A_606 : f32 to vector<8x128xf32>
    %broadcast_in_dim3A_625 = vector.broadcast %jit3A : f32 to vector<8x128xf32>
    %select_n3A = arith.select %and3A, %broadcast_in_dim3A_624, %broadcast_in_dim3A_625 : vector<8x128xi1>, vector<8x128xf32>
    %eq3A_626 = arith.constant 0 : i32
    %eq3A_627 = vector.broadcast %eq3A_626 : i32 to vector<8x128xi32>
    %eq3A_628 = arith.cmpi eq, %iota3A_616, %eq3A_627 : vector<8x128xi32>
    %eq3A_629 = arith.constant 1 : i32
    %eq3A_630 = vector.broadcast %eq3A_629 : i32 to vector<8x128xi32>
    %eq3A_631 = arith.cmpi eq, %iota3A_617, %eq3A_630 : vector<8x128xi32>
    %and3A_632 = arith.andi %eq3A_628, %eq3A_631 : vector<8x128xi1>
    %jit3A_633 = arith.constant 0.000000e+00 : f32
    %broadcast_in_dim3A_634 = vector.broadcast %reduce_sum3A_611 : f32 to vector<8x128xf32>
    %broadcast_in_dim3A_635 = vector.broadcast %jit3A_633 : f32 to vector<8x128xf32>
    %select_n3A_636 = arith.select %and3A_632, %broadcast_in_dim3A_634, %broadcast_in_dim3A_635 : vector<8x128xi1>, vector<8x128xf32>
    %add3A_637 = arith.addf %select_n3A, %select_n3A_636 : vector<8x128xf32>
    %get3A_638 = arith.constant 0 : index
    %get3A_639 = arith.constant 0 : index
    %get3A_640 = vector.load %arg6[%get3A_638, %get3A_639] : memref<8x128xf32, #tpu.memory_space<vmem>>, vector<8x128xf32>
    %add3A_641 = arith.addf %get3A_640, %add3A_637 : vector<8x128xf32>
    %swap3A_642 = arith.constant 0 : index
    %swap3A_643 = arith.constant 0 : index
    %swap3A_644 = vector.load %arg6[%swap3A_642, %swap3A_643] : memref<8x128xf32, #tpu.memory_space<vmem>>, vector<8x128xf32>
    tpu.vector_store %arg6[%swap3A_642, %swap3A_643], %add3A_641 {strides = array<i32>} : memref<8x128xf32, #tpu.memory_space<vmem>>, vector<8x128xf32>,
    return
  }
  func.func @transform_0(%arg0: i32) -> (i32, i32, i32) {
    %c0_i32 = arith.constant 0 : i32
    %c0_i32_0 = arith.constant 0 : i32
    %c0_i32_1 = arith.constant 0 : i32
    return %arg0, %c0_i32, %c0_i32_0 : i32, i32, i32
  }
  func.func @transform_1(%arg0: i32) -> (i32, i32, i32) {
    %c0_i32 = arith.constant 0 : i32
    %c0_i32_0 = arith.constant 0 : i32
    %c0_i32_1 = arith.constant 0 : i32
    return %arg0, %c0_i32, %c0_i32_0 : i32, i32, i32
  }
  func.func @transform_2(%arg0: i32) -> (i32, i32, i32) {
    %c0_i32 = arith.constant 0 : i32
    %c0_i32_0 = arith.constant 0 : i32
    %c0_i32_1 = arith.constant 0 : i32
    %c0_i32_2 = arith.constant 0 : i32
    return %c0_i32, %c0_i32_0, %c0_i32_1 : i32, i32, i32
  }
  func.func @transform_3(%arg0: i32) -> (i32, i32) {
    %c0_i32 = arith.constant 0 : i32
    %c0_i32_0 = arith.constant 0 : i32
    %c0_i32_1 = arith.constant 0 : i32
    return %c0_i32, %c0_i32_0 : i32, i32
  }
  func.func @transform_4(%arg0: i32) -> (i32, i32, i32) {
    %c0_i32 = arith.constant 0 : i32
    %c0_i32_0 = arith.constant 0 : i32
    %c0_i32_1 = arith.constant 0 : i32
    return %arg0, %c0_i32, %c0_i32_0 : i32, i32, i32
  }
  func.func @transform_5(%arg0: i32) -> (i32, i32) {
    %c0_i32 = arith.constant 0 : i32
    %c0_i32_0 = arith.constant 0 : i32
    %c0_i32_1 = arith.constant 0 : i32
    return %c0_i32, %c0_i32_0 : i32, i32
  }
}

</mosaic_0001>

<sc_bundles>
// kernel: sparse-core-data-format-call.cloned.1.call-start
scs
called_computation_lowered:
.L_overlay_start_0:
0x0: {  	s2 =	sld [smem:$0x3FD9]  }
0x1: {  	s3 =	sld [smem:$0x3FFE];
	_ =	sdelay $0x1  }
0x2: {  	s1 =	srdreg.scid  }
0x3: {  	s0 =	sand.u32 $0x1, s1  }
0x4: {  	s18 =	sshll.u32 s0, $0xA;
	s2 =	sadd.s32 s3, s2  }
0x5: {  	s2 =	sadd.s32 s2, s18  }
0x6: {  	[smem:$0x3FC4] =	sst s2  }
0x7: {  	_ = 	snop  }
0x8: {  	s2 =	sld [smem:$0x3FD0];
	(tm) =	ssettm $0x1  }
0x9: {  	s19 =	sld [smem:$0x3FFB];
	_ =	sdelay $0x3  }
0xa: {  	_ =	strace s19  }
0xb: {  	s3 =	sld [smem:$0x3FFC];
	_ =	sdelay $0x3  }
0xc: {  	_ =	strace s3  }
0xd: {  	s3 =	sld [smem:$0x3FFD];
	_ =	sdelay $0x3  }
0xe: {  	_ =	strace s3  }
0xf: {  	_ =	strace $0x8FFFFFFF  }
0x10: {  	s20 =	sld [smem:$0x3FDB];
	_ =	sdelay $0x1  }
0x11: {  	s4 =	simm.s32 $_scs_section_size  }
0x12: {  	s5 =	simm.s32 $_size__tile_overlayer_lowered;
	s6 =	simm.s32 $_tile_overlayer_lowered  }
0x13: {  	s23 =	simm.s32 $0x1BFF;
	s22 =	sshll.u32 s6, $0x1;
	s3 =	sadd.s32 s4, s20  }
0x14: {  	s7 =	simm.s32 $0x0;
	s21 =	sshll.u32 s5, $0x1;
	s5 =	sadd.s32 s22, s3  }
0x15: {  	[timem:s7], [sflag:s23] =	dma.local [hbm:s5], s21  }
0x16: {  	_ =	swait.ge [sflag:s23], s21  }
0x17: {  	s4 =	ssub.s32 $0x0, s21;
	[sflag:s23] =	ssyncset.done $0x0  }
0x18: {  	[sflag:s23] =	ssyncadd.s32 s4;
	_ =	sdelay $0x1  }
0x19: {  	s24 =	simm.s32 $0x1B8B  }
0x1a: {  	_ =	swait.ge [sflag:s24], $0x1  }
0x1b: {  	[sflag:s24] =	ssyncset.done $0x0  }
0x1c: {  	s26 =	simm.s32 $0x1B8E;
	s25 =	sld [smem:$0x3FFE];
	[sflag:s24] =	ssyncadd.s32 $0xFFFFFFFF  }
0x1d: {  	s27 =	simm.s32 $execute0_lowered;
	[smem:$0x3FD2] =	sst s26  }
0x1e: {  	s5 =	sshll.u32 s27, $0x1;
	_ =	strace $0x80000046;
	[dreg:$0x1] =	wrdreg $0xFFFFFFFF  }
0x1f: {  	s28 =	simm.s32 $_size_execute0_lowered;
	s3 =	sadd.s32 s3, s5;
	[dreg:$0x0] =	wrdreg $0x0  }
0x20: {  	s5 =	sshll.u32 s28, $0x1;
	[dreg:$0x2] =	wrdreg s3  }
0x21: {  	[dreg:$0x3] =	wrdreg s5  }
0x22: {  	[dreg:$0x4] =	wrdreg $0xC0  }
0x23: {  	_ =	task [dreg:s7], $0x5FFFF  }
0x24: {  	[dreg:$0x1] =	wrdreg $0xFFFFFFFF  }
0x25: {  	[dreg:$0x0] =	wrdreg $0x60  }
0x26: {  	[dreg:$0x2] =	wrdreg s25  }
0x27: {  	[dreg:$0x3] =	wrdreg s2  }
0x28: {  	[dreg:$0x4] =	wrdreg $0x9  }
0x29: {  	_ =	task.clear_ibuf [dreg:s7], $0x5FFFF;
	_ =	strace $0x90000046  }
0x2a: {  	s29 =	simm.s32 $0x9;
	_ =	strace $0x80000048  }
0x2b: {  	_ =	swait.ge [sflag:s29], $0x1  }
0x2c: {  	[sflag:s29] =	ssyncadd.s32 $0xFFFFFFFF  }
0x2d: {  	_ =	strace $0x90000048  }
0x2e: {  	_ =	sfence  }
0x2f: {  	s30 =	sld [smem:$0x0];
	_ =	sdelay $0x2  }
0x30: {  	s31 =	sshll.u32 s1, $0xD;
	s1 =	sshrl.u32 s1, $0x2  }
0x31: {  	s3 =	sand.u32 $0x4000, s31;
	s1 =	sadd.s32 s1, s30  }
0x32: {  	s0 =	sor.u32 s3, s0;
	s1 =	sshll.u32 s1, $0x11  }
0x33: {  	s0 =	sor.u32 s1, s0  }
0x34: {  	s0 =	sadd.s32 $0x8F2B, s0  }
0x35: {  	[sflag:s0] =	ssyncadd.remote.s32 $0x1  }
0x36: {  	_ =	sfence.sel $0xFFFF  }
0x37: {  	[dreg:$0x0] =	wrdreg $0xFFFFFFFF;
	(pc) =	sbr.abs _section_cstart, $3  }
0x38: {  	[dreg:$0x1] =	wrdreg $0xFFFFFFFF  }
0x39: {  	_ =	task.clear_ibuf [dreg:s7], $0x2FFFF;
	_ =	strace $0x9FFFFFFF  }
0x3a: {  	(tm) =	ssettm $0x7FFFFFFF  }
0x3b: {  	_ =	shalt  }
tec
execute0_lowered:
.L_overlay_start_1:
0x0: {  	(tag) =	ssettag $0x1  }
0x1: {  	s0 =	stileid.u32  }
0x2: {  	s7 =	rddreg [dreg:$0x0];
	s1 =	srdreg.scid  }
0x3: {  	s2 =	rddreg [dreg:$0x1];
	s31 =	simm.s32 $0x2;
	s13 =	simm.s32 $0x0  }
0x4: {  	s14 =	simm.s32 $0x0;
	s3 =	sshll.u32 s0, $0x7;
	s4 =	sshll.u32 s1, $0x4  }
0x5: {  	s12 =	simm.s32 $0x0;
	s3 =	sand.u32 $0x380, s3;
	s4 =	sand.u32 $0x10, s4  }
0x6: {  	s1 =	rddreg [dreg:$0x2];
	s5 =	ssub.s32 $0x400, s3;
	s4 =	sor.u32 s0, s4  }
0x7: {  	_ =	strace $0x80000047;
	s6 =	sand.u32 $0x380, s5;
	s4 =	sshrl.u32 s4, $0x3  }
0x8: {  	s8 =	sshrl.u32 s5, $0xA;
	p0 =	sne.s32 s6, $0x0;
	s6 =	simm.s32 $0x1  }
.Ltmp0:
0x9: {  	s9 =	ssub.s32 $0x104, s4;
	s6 =	simm.s32 @!p0 $0x0;
	(pc) =	sbr.rel .LBB1_1-.Ltmp0, $4  }
0xa: {  	s5 =	simm.s32 $0x1;
	s30 =	sshrl.u32 s9, $0x2;
	s6 =	sadd.s32 s6, s8  }
0xb: {  	s7 =	sadd.s32 $0x600, s7;
	[sflag:s5] =	ssyncpa.u1 $0x0;
	s6 =	smul.u32 s30, s6  }
0xc: {  	s11 =	smov.u32 s3;
	s10 =	smov.u32 s4;
	[sflag:s31] =	ssyncpa.u1 $0x0  }
0xd: {  	p0 =	por $0x0, $0x0;
	s9 =	simm.s32 $0x2000;
	s8 =	sadd.s32 $0x1, s6  }
.LBB1_4:
0xe: {  	s17 =	sand.u32 $0x1F80, s14;
	s13 =	sshll.u32 s13, $0xD  }
0xf: {  	[tilespmem:s16+$0x810 ss:$0x81] =	vst.msk $0xffff, v2;
	s18 =	sshrl.u32 s14, $0x3;
	s31 =	sand.u32 $0x7, s14;
	s17 =	sadd.s32 s2, s17  }
0x10: {  	[tilespmem:s16+$0x1020 ss:$0x81] =	vst.msk $0xffff, v0;
	s18 =	sand.u32 $0xF, s18;
	s14 =	sshll.u32 s31, $0x12;
	s13 =	sadd.s32 s13, s17  }
0x11: {  	[tilespmem:s16+$0x0 ss:$0x81] =	vst.msk $0xffff, v1;
	s14 =	sor.u32 $0x400, s14;
	s13 =	sadd.s32 s18, s13  }
0x12: {  	[hbm4b:s13+s14] =	stream.strided.scatter [tilespmem:s15], [sflag:$0x2], $0x2000, s9, s14, $0x20;
	[tilespmem:$0x8080] =	vst v63  }
.LBB1_5:
0x13: {  	s15 =	sadd.s32 $0x4, s10  }
0x14: {  	s13 =	sadd.s32 $0x400, s11;
	s17 =	smov.u32 s11;
	p2 =	sgt.s32 s15, $0x100  }
0x15: {  	s17 =	smov.u32 @p2 s13  }
0x16: {  	s15 =	smov.u32 @p2 s4;
	p2 =	sgt.s32 s17, $0x3FF  }
0x17: {  	s17 =	smov.u32 @p2 s3;
	p2 =	sne.s32 s12, s8  }
.Ltmp1:
0x18: {  	p1 =	slt.u32 s12, $0x2;
	(pc) =	sbr.rel @!p2 .LBB1_6-.Ltmp1, $4  }
0x19: {  	s16 =	simm.s32 @!p1 $0x2  }
0x1a: {  	s14 =	smov.u32 s11;
	p0 =	por !p0, !p0;
	_ =	swait.ge @!p1 [sflag:s16], $0x2000  }
0x1b: {  	s13 =	smov.u32 s10;
	[sflag:s16] =	ssyncset.done @!p1 $0x0;
	s10 =	smov.u32 s15  }
0x1c: {  	s12 =	sadd.s32 $0x1, s12;
	[sflag:s16] =	ssyncadd.s32 @!p1 $0xFFFFE000;
	s11 =	smov.u32 s17  }
.LBB1_1:
0x1d: {  	p1 =	sge.u32 s12, s6  }
0x1e: {  	s15 =	sand.u32 @!p1 $0x1FFFFFF, s10  }
0x1f: {  	s16 =	smulhi.u32 @!p1 $0xF83E10, s15;
	_ =	sdelay $0x1  }
0x20: {  	s16 =	smul.u32 @!p1 $0x108, s16  }
0x21: {  	s17 =	sxor.u32 @!p1 $0xFFFFFFFF, s12;
	s18 =	smul.u32 @!p1 $0x1080, s11  }
0x22: {  	s31 =	sadd.s32 $0xFFFFFFFF, s12;
	s17 =	sshll.u32 @!p1 s17, $0xD;
	s15 =	ssub.s32 @!p1 s15, s16  }
0x23: {  	s16 =	sand.u32 @!p1 $0x2000, s17;
	s17 =	sadd.s32 @!p1 s7, s18;
	s15 =	sshll.u32 @!p1 s15, $0x4  }
0x24: {  	s18 =	simm.s32 @!p1 $0x8400;
	s15 =	sadd.s32 @!p1 s15, s17;
	s17 =	simm.s32 @!p1 $0x40  }
0x25: {  	[tilespmem:s16], [sflag:$0x1] =	stream.strided.gather @!p1 [hbm4b:s15+s17], $0x2000, s18, s17, $0x38;
	[tilespmem:$0x8080] =	vst v63  }
0x26: {  	p1 =	sge.u32 s31, s6  }
.Ltmp2:
0x27: {  	_ = 	snop;
	(pc) =	sbr.rel @p1 .LBB1_5-.Ltmp2, $1  }
0x28: {  	_ =	sdelay $0x3  }
0x29: {  	s15 =	simm.s32 $0x1  }
0x2a: {  	_ =	swait.ge [sflag:s5], $0x2000;
	s15 =	simm.s32 @!p0 $0x0  }
0x2b: {  	[sflag:s5] =	ssyncset.done $0x0;
	s16 =	sshll.u32 s15, $0xD  }
0x2c: {  	[sflag:s5] =	ssyncadd.s32 $0xFFFFE000;
	s19 =	sor.u32 $0x20, s16  }
0x2d: {  	s15 =	smul.u32 $0x8100, s15;
	v3 =	vld [tilespmem:s19+$0x10]  }
0x2e: {  	s30 =	sand.u32 $0x1, s12;
	v2 =	vld [tilespmem:s19+$0xFFFFFFF0]  }
0x2f: {  	s16 =	smul.u32 $0x8100, s30;
	s15 =	sshrl.u32 s15, $0x2;
	v0 =	vld [tilespmem:s19+$0x0]  }
0x30: {  	v1 =	vld [tilespmem:s19+$0xFFFFFFE0];
	s17 =	sor.u32 $0x4000, s15  }
0x31: {  	s31 =	sshrl.u32 s16, $0x2;
	s16 =	sadd.s32 $0x0, s17  }
0x32: {  	s18 =	simm.s32 $0x4;
	s19 =	sadd.s32 $0x40, s19;
	s15 =	sor.u32 $0x4000, s31;
	[tilespmem:s16+$0x1830 ss:$0x81] =	vst.msk $0xffff, v3  }
.LBB1_3:
0x33: {  	v3 =	vld [tilespmem:s19+$0x10];
	p1 =	sne.s32 s18, $0x1FC;
	[tilespmem:s16+$0x810 ss:$0x81] =	vst.msk $0xffff, v2;
	s20 =	smov.u32 s18;
	s18 =	sadd.s32 $0x4, s18  }
.Ltmp3:
0x34: {  	v2 =	vld [tilespmem:s19+$0xFFFFFFF0];
	[tilespmem:s16+$0x1020 ss:$0x81] =	vst.msk $0xffff, v0;
	(pc) =	sbr.rel @p1 .LBB1_3-.Ltmp3, $4  }
0x35: {  	v0 =	vld [tilespmem:s19+$0x0];
	[tilespmem:s16+$0x0 ss:$0x81] =	vst.msk $0xffff, v1  }
0x36: {  	s16 =	sshra.s32 s20, $0x2;
	v1 =	vld [tilespmem:s19+$0xFFFFFFE0]  }
0x37: {  	s16 =	sadd.s32 s16, s17  }
0x38: {  	s19 =	sadd.s32 $0x40, s19;
	[tilespmem:s16+$0x1830 ss:$0x81] =	vst.msk $0xffff, v3  }
.Ltmp4:
0x39: {  	_ = 	snop;
	(pc) =	sbr.rel .LBB1_4-.Ltmp4, $1  }
0x3a: {  	_ =	sdelay $0x3  }
.LBB1_6:
0x3b: {  	_ =	sfence.sel $0x180000  }
0x3c: {  	s2 =	simm.s32 $0x1;
	[bflag:$0x0] =	sbarrier.arrive $0xFFFF  }
0x3d: {  	s31 =	simm.s32 $0x2;
	[sflag:s2] =	ssyncpa.u1 $0x1  }
0x3e: {  	[sflag:s31] =	ssyncpa.u1 $0x1  }
0x3f: {  	p0 =	sne.s32 s0, $0x0;
	_ =	strace $0x90000047  }
0x40: {  	s0 =	sadd.s32 @!p0 $0x100000, s1;
	[bflag:$0x2] =	sbarrier.arrive $0xFFFF  }
0x41: {  	[sflag:s0] =	ssyncadd.tile.s32 @!p0 $0x1;
	_ =	shalt  }
.Lfunc_end1:
_tile_overlayer_lowered:
.L_overlay_start_2:
0x42: {  	(tag) =	ssettag $0x2  }
0x43: {  	s0 =	rddreg [dreg:$0x0];
	s2 =	stileid.u32  }
0x44: {  	s1 =	rddreg [dreg:$0x1];
	p0 =	sne.s32 s2, $0x0  }
0x45: {  	s3 =	rddreg [dreg:$0x2];
	[bflag:$0x3] =	sbarrier.arrive $0xFFFF;
	s2 =	simm.s32 @!p0 $0x1C01  }
0x46: {  	[timem:s3], [sflag:s2] =	dma.local @!p0 [hbm:s0], s1  }
0x47: {  	s0 =	simm.s32 @!p0 $0x1  }
0x48: {  	_ =	swait.ge @!p0 [sflag:s0], s1  }
0x49: {  	s1 =	ssub.s32 @!p0 $0x0, s1;
	[sflag:s0] =	ssyncset.done @!p0 $0x0  }
0x4a: {  	[sflag:s0] =	ssyncadd.s32 @!p0 s1  }
0x4b: {  	[bflag:$0x3] =	sbarrier.arrive $0xFFFF  }
0x4c: {  	_ =	shalt  }

</sc_bundles>
